<compile_context>
chip_gen: v7x
topology: tpu7x:2x2x1
jax: 0.10.2.dev20260603
libtpu: 0.0.44.dev20260713+nightly
codegen_flags: <defaults>
</compile_context>

<pallas_src>
import functools

import jax
import jax.numpy as jnp
from jax import lax
from jax.experimental import pallas as pl
from jax.experimental.pallas import tpu as pltpu
from jax.experimental.pallas import tpu_sc as plsc

N = 20000
D = 64
E = 20000
L = 40

NC, NS = 2, 16
NW = NC * NS
CH = 128

EP = 20480
EP2 = 2 * EP
ROWS_G = EP2 // NW
KG = ROWS_G // CH
TM = 1024
GRID = EP2 // TM
GRID_BASE = EP // TM

@functools.cache
def _sc_kernels():
    mesh = plsc.VectorSubcoreMesh(core_axis_name="c", subcore_axis_name="s")

    @functools.partial(
        pl.kernel,
        mesh=mesh,
        out_type=jax.ShapeDtypeStruct((EP2, 2 * D), jnp.float32),
        scratch_types=[
            pltpu.VMEM((KG, CH), jnp.int32),
            pltpu.VMEM((CH, 2 * D), jnp.float32),
            pltpu.VMEM((CH, 2 * D), jnp.float32),
            pltpu.SemaphoreType.DMA,
            pltpu.SemaphoreType.DMA,
        ],
    )
    def sc_gather(x_hbm, idx_hbm, g_hbm, idx_v, buf0, buf1, sem0, sem1):
        wid = lax.axis_index("s") * NC + lax.axis_index("c")
        pltpu.sync_copy(idx_hbm.at[wid], idx_v)
        bufs, sems, descs = (buf0, buf1), (sem0, sem1), [None, None]
        descs[0] = pltpu.async_copy(x_hbm.at[idx_v.at[0]], buf0, sem0)
        for j in range(KG):
            sl = j % 2
            if j + 1 < KG:
                descs[1 - sl] = pltpu.async_copy(
                    x_hbm.at[idx_v.at[j + 1]], bufs[1 - sl], sems[1 - sl])
            descs[sl].wait()
            pltpu.sync_copy(bufs[sl],
                            g_hbm.at[pl.ds(wid * ROWS_G + j * CH, CH)])

    return sc_gather


def _tc_body(lab_ref, g_ref, x_ref, wt_ref, b2_ref, wself_ref, bself_ref,
             msg_ref, base_ref):
    i = pl.program_id(0)
    g = g_ref[...]
    lab = lab_ref[...]
    oh = (lab == lax.broadcasted_iota(jnp.int32, (1, L), 1)
          ).astype(jnp.float32)
    acc = jnp.dot(oh, b2_ref[0], preferred_element_type=jnp.float32)
    h = jnp.dot(g, wt_ref[0], preferred_element_type=jnp.float32)
    labh = lab // 2
    labp = lab % 2
    jhalf = lax.broadcasted_iota(jnp.int32, (1, 2 * D), 1) // D
    acc128 = jnp.zeros((TM, 2 * D), jnp.float32)
    for p in range(L // 2):
        m = ((labh == p) & (jhalf == labp)).astype(jnp.float32)
        acc128 = acc128 + m * h[:, 2 * D * p:2 * D * (p + 1)]
    acc = acc + acc128[:, :D] + acc128[:, D:]
    msg_ref[...] = acc

    @pl.when(i < GRID_BASE)
    def _():
        base_ref[...] = (
            jnp.dot(x_ref[...], wself_ref[...],
                    preferred_element_type=jnp.float32) + bself_ref[...])


def _tc_compute(lab2, g, x_pad, wt2d, b2, wself_t, bself2d):
    return pl.pallas_call(
        _tc_body,
        grid=(GRID,),
        in_specs=[
            pl.BlockSpec((TM, 1), lambda i: (i, 0)),
            pl.BlockSpec((TM, 2 * D), lambda i: (i, 0)),
            pl.BlockSpec((TM, D), lambda i: (jnp.minimum(i, GRID_BASE - 1), 0)),
            pl.BlockSpec((1, 2 * D, L * D), lambda i: (i // GRID_BASE, 0, 0)),
            pl.BlockSpec((1, L, D), lambda i: (i // GRID_BASE, 0, 0)),
            pl.BlockSpec((D, D), lambda i: (0, 0)),
            pl.BlockSpec((1, D), lambda i: (0, 0)),
        ],
        out_specs=[
            pl.BlockSpec((TM, D), lambda i: (i, 0)),
            pl.BlockSpec((TM, D), lambda i: (jnp.minimum(i, GRID_BASE - 1), 0)),
        ],
        out_shape=[
            jax.ShapeDtypeStruct((EP2, D), jnp.float32),
            jax.ShapeDtypeStruct((EP, D), jnp.float32),
        ],
    )(lab2, g, x_pad, wt2d, b2, wself_t, bself2d)


def _tc_scatter_body(idx_ref, msg_ref, base_ref, o_ref):
    i = pl.program_id(0)
    j = pl.program_id(1)

    @pl.when(j == 0)
    def _():
        o_ref[...] = base_ref[...]

    rows = i * TM + lax.broadcasted_iota(jnp.int32, (TM, 1), 0)
    oh = (rows == idx_ref[...].reshape(1, TM)).astype(jnp.float32)
    o_ref[...] += jnp.dot(oh, msg_ref[...],
                          preferred_element_type=jnp.float32)


def _tc_scatter(scat_idx2d, msg, base):
    return pl.pallas_call(
        _tc_scatter_body,
        grid=(GRID_BASE, GRID),
        in_specs=[
            pl.BlockSpec((TM, 1), lambda i, j: (j, 0)),
            pl.BlockSpec((TM, D), lambda i, j: (j, 0)),
            pl.BlockSpec((TM, D), lambda i, j: (i, 0)),
        ],
        out_specs=pl.BlockSpec((TM, D), lambda i, j: (i, 0)),
        out_shape=jax.ShapeDtypeStruct((EP, D), jnp.float32),
    )(scat_idx2d, msg, base)


def kernel(x, dependency_triples, W_self, b_self, W_dep, b_dep):
    dep = dependency_triples[:, 0].astype(jnp.int32)
    lab = dependency_triples[:, 1].astype(jnp.int32)
    gov = dependency_triples[:, 2].astype(jnp.int32)
    pad = EP - E
    zpad = jnp.zeros((pad,), jnp.int32)
    trash = N + jnp.arange(pad, dtype=jnp.int32)
    gather_idx = jnp.concatenate([gov, zpad, dep, zpad]).reshape(NW, KG, CH)
    lab2 = jnp.concatenate([lab, zpad, lab, zpad]).reshape(-1, 1)
    scat_idx = jnp.concatenate([dep, trash, gov, trash])
    x_pad = jnp.concatenate([x, jnp.zeros((EP - N, D), x.dtype)])
    wt2d = jnp.transpose(W_dep.reshape(2, L, D, D), (0, 3, 1, 2)
                         ).reshape(2, D, L * D)
    wt2d = jnp.concatenate([wt2d, jnp.zeros_like(wt2d)], axis=1)
    x128 = jnp.concatenate([x, jnp.zeros_like(x)], axis=1)
    b2 = b_dep.reshape(2, L, D)
    wself_t = W_self.T
    bself2d = b_self.reshape(1, D)

    sc_gather = _sc_kernels()
    g = sc_gather(x128, gather_idx)
    msg, base = _tc_compute(lab2, g, x_pad, wt2d, b2, wself_t, bself2d)
    out = _tc_scatter(scat_idx.reshape(-1, 1), msg, base)
    return out[:N]

# --- scband reference (transcript-rebuilt; emitter-appended) ---
"""Pipeline reference for scband-dependency-gcn-32873679683801 (READ-ONLY COPY).

The authoritative reference and input builder live on the scoring server;
editing this copy changes nothing except your own understanding.
"""

import jax, jax.numpy as jnp
import numpy as np

N = 20000      # in_dim: number of tokens/nodes
D = 64         # out_dim: hidden size
E = 20000      # number of dependency triples
L = 40         # number of dependency labels (80 weights with reversed)


def setup_inputs(seed: int = 0) -> dict:
    key = jax.random.key(seed)
    k_x, k_dep, k_lab, k_gov, k_ws, k_bs, k_wd, k_bd = jax.random.split(key, 8)
    x = jax.random.normal(k_x, (N, D), dtype=jnp.float32)
    dep = jax.random.randint(k_dep, (E, 1), 0, N, dtype=jnp.int64)
    lab = jax.random.randint(k_lab, (E, 1), 0, L, dtype=jnp.int64)
    gov = jax.random.randint(k_gov, (E, 1), 0, N, dtype=jnp.int64)
    dependency_triples = jnp.concatenate([dep, lab, gov], axis=1)
    bound = 1.0 / np.sqrt(D)
    # 'self' Linear(D, D)
    W_self = jax.random.uniform(k_ws, (D, D), minval=-bound, maxval=bound, dtype=jnp.float32)
    b_self = jax.random.uniform(k_bs, (D,), minval=-bound, maxval=bound, dtype=jnp.float32)
    # per-relation Linear(D, D): indices [0, L) forward labels, [L, 2L) reversed ('_r') labels
    W_dep = jax.random.uniform(k_wd, (2 * L, D, D), minval=-bound, maxval=bound, dtype=jnp.float32)
    b_dep = jax.random.uniform(k_bd, (2 * L, D), minval=-bound, maxval=bound, dtype=jnp.float32)
    return {"x": x, "dependency_triples": dependency_triples,
            "W_self": W_self, "b_self": b_self, "W_dep": W_dep, "b_dep": b_dep}


def reference(x, dependency_triples, W_self, b_self, W_dep, b_dep):
    # message_passing (num_layers=1, reverse_case=True)
    dep = dependency_triples[:, 0]
    lab = dependency_triples[:, 1]
    gov = dependency_triples[:, 2]
    n_lab = W_dep.shape[0] // 2
    # self transform: temp[idx] = W_self @ x[idx] + b_self for all idx
    out = x @ W_self.T + b_self
    # forward edges: temp[dependent] += Linear_label(x[governor])
    Wf = jnp.take(W_dep, lab, axis=0)          # [E, D, D] gathered per-edge weights
    bf = jnp.take(b_dep, lab, axis=0)          # [E, D]
    msg_f = jnp.einsum('eij,ej->ei', Wf, jnp.take(x, gov, axis=0)) + bf
    out = out.at[dep].add(msg_f)
    # reversed edges: temp[governor] += Linear_{label_r}(x[dependent])
    Wr = jnp.take(W_dep, lab + n_lab, axis=0)  # [E, D, D]
    br = jnp.take(b_dep, lab + n_lab, axis=0)  # [E, D]
    msg_r = jnp.einsum('eij,ej->ei', Wr, jnp.take(x, dep, axis=0)) + br
    out = out.at[gov].add(msg_r)
    return out

if __name__ == "__main__":
    import jax
    _d = setup_inputs()
    print(jax.jit(kernel)(*tuple(_d.values())))

</pallas_src>

<mosaic_0001>
#map = affine_map<(d0, d1) -> (0, 0)>
#map1 = affine_map<(d0, d1) -> (0, 0, 0)>
module attributes {stable_mosaic.version = 14 : i64} {
  func.func @sc_gather(%arg0: i32, %arg1: i32, %arg2: memref<20000x128xf32, #tpu.memory_space<hbm>>, %arg3: memref<32x10x128xi32, #tpu.memory_space<hbm>>, %arg4: memref<40960x128xf32, #tpu.memory_space<hbm>>, %arg5: memref<10x128xi32, #tpu.memory_space<vmem>>, %arg6: memref<128x128xf32, #tpu.memory_space<vmem>>, %arg7: memref<128x128xf32, #tpu.memory_space<vmem>>, %arg8: memref<!tpu.dma_semaphore, #tpu.memory_space<semaphore_mem>>, %arg9: memref<!tpu.dma_semaphore, #tpu.memory_space<semaphore_mem>>) attributes {dimension_semantics = [#tpu.dimension_semantics<core_parallel>, #tpu.dimension_semantics<subcore_parallel>], iteration_bounds = array<i64: 2, 16>, scalar_prefetch = 0 : i64, scratch_operands = 5 : i64, tpu.core_type = #tpu.core_type<sc_vector_subcore>, window_params = [{transform_indices = #map}, {transform_indices = #map1}, {transform_indices = #map}]} {
    %mul3A = arith.constant 2 : i32
    %mul3A_0 = arith.muli %arg1, %mul3A : i32
    %add3A = arith.addi %mul3A_0, %arg0 : i32
    "tpu.region"() ({
      %run_scoped3A = tpu.sem_alloc : memref<!tpu.dma_semaphore, #tpu.memory_space<semaphore_mem>>
      %dma_start3A_179 = arith.constant 0 : i32
      %dma_start3A_180 = arith.constant 0 : i32
      %dma_start3A_181 = tpu.memref_slice %arg3[%add3A, %dma_start3A_179, %dma_start3A_180] : memref<32x10x128xi32, #tpu.memory_space<hbm>> -> memref<1x10x128xi32, #tpu.memory_space<hbm>>
      %dma_start3A_182 = tpu.memref_squeeze %dma_start3A_181 : memref<1x10x128xi32, #tpu.memory_space<hbm>> -> memref<10x128xi32, #tpu.memory_space<hbm>>
      %dma_start3A_183 = arith.constant 0 : i32
      %dma_start3A_184 = arith.constant 0 : i32
      %dma_start3A_185 = tpu.memref_slice %arg3[%add3A, %dma_start3A_183, %dma_start3A_184] : memref<32x10x128xi32, #tpu.memory_space<hbm>> -> memref<1x10x128xi32, #tpu.memory_space<hbm>>
      %dma_start3A_186 = tpu.memref_squeeze %dma_start3A_185 : memref<1x10x128xi32, #tpu.memory_space<hbm>> -> memref<10x128xi32, #tpu.memory_space<hbm>>
      tpu.enqueue_dma source(%dma_start3A_186 : memref<10x128xi32, #tpu.memory_space<hbm>>) target(%arg5 : memref<10x128xi32, #tpu.memory_space<vmem>>) target_semaphore(%run_scoped3A : memref<!tpu.dma_semaphore, #tpu.memory_space<semaphore_mem>>)
      %dma_wait3A_187 = arith.constant 0 : i32
      %dma_wait3A_188 = arith.constant 0 : i32
      %dma_wait3A_189 = tpu.memref_slice %arg3[%add3A, %dma_wait3A_187, %dma_wait3A_188] : memref<32x10x128xi32, #tpu.memory_space<hbm>> -> memref<1x10x128xi32, #tpu.memory_space<hbm>>
      %dma_wait3A_190 = tpu.memref_squeeze %dma_wait3A_189 : memref<1x10x128xi32, #tpu.memory_space<hbm>> -> memref<10x128xi32, #tpu.memory_space<hbm>>
      %dma_wait3A_191 = arith.constant 0 : i32
      %dma_wait3A_192 = arith.constant 0 : i32
      %dma_wait3A_193 = tpu.memref_slice %arg3[%add3A, %dma_wait3A_191, %dma_wait3A_192] : memref<32x10x128xi32, #tpu.memory_space<hbm>> -> memref<1x10x128xi32, #tpu.memory_space<hbm>>
      %dma_wait3A_194 = tpu.memref_squeeze %dma_wait3A_193 : memref<1x10x128xi32, #tpu.memory_space<hbm>> -> memref<10x128xi32, #tpu.memory_space<hbm>>
      tpu.wait_dma2 semaphore(%run_scoped3A : memref<!tpu.dma_semaphore, #tpu.memory_space<semaphore_mem>>) src(%dma_wait3A_194 : memref<10x128xi32, #tpu.memory_space<hbm>>) dst(%arg5 : memref<10x128xi32, #tpu.memory_space<vmem>>)
      tpu.yield
    }) : () -> ()
    %dma_start3A = arith.constant 0 : i32
    %dma_start3A_1 = arith.constant 0 : i32
    %dma_start3A_2 = tpu.memref_slice %arg5[%dma_start3A, %dma_start3A_1] : memref<10x128xi32, #tpu.memory_space<vmem>> -> memref<1x128xi32, #tpu.memory_space<vmem>>
    %dma_start3A_3 = tpu.memref_squeeze %dma_start3A_2 : memref<1x128xi32, #tpu.memory_space<vmem>> -> memref<128xi32, #tpu.memory_space<vmem>>
    %dma_start3A_4 = arith.constant 0 : i32
    %dma_start3A_5 = arith.constant 0 : i32
    %dma_start3A_6 = tpu.memref_slice %arg2[%dma_start3A_4, %dma_start3A_5] : memref<20000x128xf32, #tpu.memory_space<hbm>> -> memref<20000x128xf32, #tpu.memory_space<hbm>>
    tpu.enqueue_indirect_dma source(%dma_start3A_6 : memref<20000x128xf32, #tpu.memory_space<hbm>>) target(%arg6 : memref<128x128xf32, #tpu.memory_space<vmem>>) offsets(%dma_start3A_3 : memref<128xi32, #tpu.memory_space<vmem>>) semaphore(%arg8 : memref<!tpu.dma_semaphore, #tpu.memory_space<semaphore_mem>>)
    %dma_start3A_7 = arith.constant 1 : i32
    %dma_start3A_8 = arith.constant 0 : i32
    %dma_start3A_9 = tpu.memref_slice %arg5[%dma_start3A_7, %dma_start3A_8] : memref<10x128xi32, #tpu.memory_space<vmem>> -> memref<1x128xi32, #tpu.memory_space<vmem>>
    %dma_start3A_10 = tpu.memref_squeeze %dma_start3A_9 : memref<1x128xi32, #tpu.memory_space<vmem>> -> memref<128xi32, #tpu.memory_space<vmem>>
    %dma_start3A_11 = arith.constant 0 : i32
    %dma_start3A_12 = arith.constant 0 : i32
    %dma_start3A_13 = tpu.memref_slice %arg2[%dma_start3A_11, %dma_start3A_12] : memref<20000x128xf32, #tpu.memory_space<hbm>> -> memref<20000x128xf32, #tpu.memory_space<hbm>>
    tpu.enqueue_indirect_dma source(%dma_start3A_13 : memref<20000x128xf32, #tpu.memory_space<hbm>>) target(%arg7 : memref<128x128xf32, #tpu.memory_space<vmem>>) offsets(%dma_start3A_10 : memref<128xi32, #tpu.memory_space<vmem>>) semaphore(%arg9 : memref<!tpu.dma_semaphore, #tpu.memory_space<semaphore_mem>>)
    %dma_wait3A = arith.constant 0 : i32
    %dma_wait3A_14 = arith.constant 0 : i32
    %dma_wait3A_15 = tpu.memref_slice %arg5[%dma_wait3A, %dma_wait3A_14] : memref<10x128xi32, #tpu.memory_space<vmem>> -> memref<1x128xi32, #tpu.memory_space<vmem>>
    %dma_wait3A_16 = tpu.memref_squeeze %dma_wait3A_15 : memref<1x128xi32, #tpu.memory_space<vmem>> -> memref<128xi32, #tpu.memory_space<vmem>>
    %dma_wait3A_17 = arith.constant 0 : i32
    %dma_wait3A_18 = arith.constant 0 : i32
    %dma_wait3A_19 = tpu.memref_slice %arg2[%dma_wait3A_17, %dma_wait3A_18] : memref<20000x128xf32, #tpu.memory_space<hbm>> -> memref<20000x128xf32, #tpu.memory_space<hbm>>
    tpu.wait_indirect_dma semaphore(%arg8 : memref<!tpu.dma_semaphore, #tpu.memory_space<semaphore_mem>>) src(%dma_wait3A_19 : memref<20000x128xf32, #tpu.memory_space<hbm>>) dst(%arg6 : memref<128x128xf32, #tpu.memory_space<vmem>>)
    %mul3A_20 = arith.constant 1280 : i32
    %mul3A_21 = arith.muli %add3A, %mul3A_20 : i32
    %add3A_22 = arith.constant 0 : i32
    %add3A_23 = arith.addi %mul3A_21, %add3A_22 : i32
    "tpu.region"() ({
      %run_scoped3A = tpu.sem_alloc : memref<!tpu.dma_semaphore, #tpu.memory_space<semaphore_mem>>
      %dma_start3A_179 = arith.constant 0 : i32
      %dma_start3A_180 = tpu.memref_slice %arg4[%add3A_23, %dma_start3A_179] : memref<40960x128xf32, #tpu.memory_space<hbm>> -> memref<128x128xf32, #tpu.memory_space<hbm>>
      %dma_start3A_181 = arith.constant 0 : i32
      %dma_start3A_182 = tpu.memref_slice %arg4[%add3A_23, %dma_start3A_181] : memref<40960x128xf32, #tpu.memory_space<hbm>> -> memref<128x128xf32, #tpu.memory_space<hbm>>
      tpu.enqueue_dma source(%arg6 : memref<128x128xf32, #tpu.memory_space<vmem>>) target(%dma_start3A_182 : memref<128x128xf32, #tpu.memory_space<hbm>>) target_semaphore(%run_scoped3A : memref<!tpu.dma_semaphore, #tpu.memory_space<semaphore_mem>>)
      %dma_wait3A_183 = arith.constant 0 : i32
      %dma_wait3A_184 = tpu.memref_slice %arg4[%add3A_23, %dma_wait3A_183] : memref<40960x128xf32, #tpu.memory_space<hbm>> -> memref<128x128xf32, #tpu.memory_space<hbm>>
      %dma_wait3A_185 = arith.constant 0 : i32
      %dma_wait3A_186 = tpu.memref_slice %arg4[%add3A_23, %dma_wait3A_185] : memref<40960x128xf32, #tpu.memory_space<hbm>> -> memref<128x128xf32, #tpu.memory_space<hbm>>
      tpu.wait_dma2 semaphore(%run_scoped3A : memref<!tpu.dma_semaphore, #tpu.memory_space<semaphore_mem>>) src(%arg6 : memref<128x128xf32, #tpu.memory_space<vmem>>) dst(%dma_wait3A_186 : memref<128x128xf32, #tpu.memory_space<hbm>>)
      tpu.yield
    }) : () -> ()
    %dma_start3A_24 = arith.constant 2 : i32
    %dma_start3A_25 = arith.constant 0 : i32
    %dma_start3A_26 = tpu.memref_slice %arg5[%dma_start3A_24, %dma_start3A_25] : memref<10x128xi32, #tpu.memory_space<vmem>> -> memref<1x128xi32, #tpu.memory_space<vmem>>
    %dma_start3A_27 = tpu.memref_squeeze %dma_start3A_26 : memref<1x128xi32, #tpu.memory_space<vmem>> -> memref<128xi32, #tpu.memory_space<vmem>>
    %dma_start3A_28 = arith.constant 0 : i32
    %dma_start3A_29 = arith.constant 0 : i32
    %dma_start3A_30 = tpu.memref_slice %arg2[%dma_start3A_28, %dma_start3A_29] : memref<20000x128xf32, #tpu.memory_space<hbm>> -> memref<20000x128xf32, #tpu.memory_space<hbm>>
    tpu.enqueue_indirect_dma source(%dma_start3A_30 : memref<20000x128xf32, #tpu.memory_space<hbm>>) target(%arg6 : memref<128x128xf32, #tpu.memory_space<vmem>>) offsets(%dma_start3A_27 : memref<128xi32, #tpu.memory_space<vmem>>) semaphore(%arg8 : memref<!tpu.dma_semaphore, #tpu.memory_space<semaphore_mem>>)
    %dma_wait3A_31 = arith.constant 1 : i32
    %dma_wait3A_32 = arith.constant 0 : i32
    %dma_wait3A_33 = tpu.memref_slice %arg5[%dma_wait3A_31, %dma_wait3A_32] : memref<10x128xi32, #tpu.memory_space<vmem>> -> memref<1x128xi32, #tpu.memory_space<vmem>>
    %dma_wait3A_34 = tpu.memref_squeeze %dma_wait3A_33 : memref<1x128xi32, #tpu.memory_space<vmem>> -> memref<128xi32, #tpu.memory_space<vmem>>
    %dma_wait3A_35 = arith.constant 0 : i32
    %dma_wait3A_36 = arith.constant 0 : i32
    %dma_wait3A_37 = tpu.memref_slice %arg2[%dma_wait3A_35, %dma_wait3A_36] : memref<20000x128xf32, #tpu.memory_space<hbm>> -> memref<20000x128xf32, #tpu.memory_space<hbm>>
    tpu.wait_indirect_dma semaphore(%arg9 : memref<!tpu.dma_semaphore, #tpu.memory_space<semaphore_mem>>) src(%dma_wait3A_37 : memref<20000x128xf32, #tpu.memory_space<hbm>>) dst(%arg7 : memref<128x128xf32, #tpu.memory_space<vmem>>)
    %mul3A_38 = arith.constant 1280 : i32
    %mul3A_39 = arith.muli %add3A, %mul3A_38 : i32
    %add3A_40 = arith.constant 128 : i32
    %add3A_41 = arith.addi %mul3A_39, %add3A_40 : i32
    "tpu.region"() ({
      %run_scoped3A = tpu.sem_alloc : memref<!tpu.dma_semaphore, #tpu.memory_space<semaphore_mem>>
      %dma_start3A_179 = arith.constant 0 : i32
      %dma_start3A_180 = tpu.memref_slice %arg4[%add3A_41, %dma_start3A_179] : memref<40960x128xf32, #tpu.memory_space<hbm>> -> memref<128x128xf32, #tpu.memory_space<hbm>>
      %dma_start3A_181 = arith.constant 0 : i32
      %dma_start3A_182 = tpu.memref_slice %arg4[%add3A_41, %dma_start3A_181] : memref<40960x128xf32, #tpu.memory_space<hbm>> -> memref<128x128xf32, #tpu.memory_space<hbm>>
      tpu.enqueue_dma source(%arg7 : memref<128x128xf32, #tpu.memory_space<vmem>>) target(%dma_start3A_182 : memref<128x128xf32, #tpu.memory_space<hbm>>) target_semaphore(%run_scoped3A : memref<!tpu.dma_semaphore, #tpu.memory_space<semaphore_mem>>)
      %dma_wait3A_183 = arith.constant 0 : i32
      %dma_wait3A_184 = tpu.memref_slice %arg4[%add3A_41, %dma_wait3A_183] : memref<40960x128xf32, #tpu.memory_space<hbm>> -> memref<128x128xf32, #tpu.memory_space<hbm>>
      %dma_wait3A_185 = arith.constant 0 : i32
      %dma_wait3A_186 = tpu.memref_slice %arg4[%add3A_41, %dma_wait3A_185] : memref<40960x128xf32, #tpu.memory_space<hbm>> -> memref<128x128xf32, #tpu.memory_space<hbm>>
      tpu.wait_dma2 semaphore(%run_scoped3A : memref<!tpu.dma_semaphore, #tpu.memory_space<semaphore_mem>>) src(%arg7 : memref<128x128xf32, #tpu.memory_space<vmem>>) dst(%dma_wait3A_186 : memref<128x128xf32, #tpu.memory_space<hbm>>)
      tpu.yield
    }) : () -> ()
    %dma_start3A_42 = arith.constant 3 : i32
    %dma_start3A_43 = arith.constant 0 : i32
    %dma_start3A_44 = tpu.memref_slice %arg5[%dma_start3A_42, %dma_start3A_43] : memref<10x128xi32, #tpu.memory_space<vmem>> -> memref<1x128xi32, #tpu.memory_space<vmem>>
    %dma_start3A_45 = tpu.memref_squeeze %dma_start3A_44 : memref<1x128xi32, #tpu.memory_space<vmem>> -> memref<128xi32, #tpu.memory_space<vmem>>
    %dma_start3A_46 = arith.constant 0 : i32
    %dma_start3A_47 = arith.constant 0 : i32
    %dma_start3A_48 = tpu.memref_slice %arg2[%dma_start3A_46, %dma_start3A_47] : memref<20000x128xf32, #tpu.memory_space<hbm>> -> memref<20000x128xf32, #tpu.memory_space<hbm>>
    tpu.enqueue_indirect_dma source(%dma_start3A_48 : memref<20000x128xf32, #tpu.memory_space<hbm>>) target(%arg7 : memref<128x128xf32, #tpu.memory_space<vmem>>) offsets(%dma_start3A_45 : memref<128xi32, #tpu.memory_space<vmem>>) semaphore(%arg9 : memref<!tpu.dma_semaphore, #tpu.memory_space<semaphore_mem>>)
    %dma_wait3A_49 = arith.constant 2 : i32
    %dma_wait3A_50 = arith.constant 0 : i32
    %dma_wait3A_51 = tpu.memref_slice %arg5[%dma_wait3A_49, %dma_wait3A_50] : memref<10x128xi32, #tpu.memory_space<vmem>> -> memref<1x128xi32, #tpu.memory_space<vmem>>
    %dma_wait3A_52 = tpu.memref_squeeze %dma_wait3A_51 : memref<1x128xi32, #tpu.memory_space<vmem>> -> memref<128xi32, #tpu.memory_space<vmem>>
    %dma_wait3A_53 = arith.constant 0 : i32
    %dma_wait3A_54 = arith.constant 0 : i32
    %dma_wait3A_55 = tpu.memref_slice %arg2[%dma_wait3A_53, %dma_wait3A_54] : memref<20000x128xf32, #tpu.memory_space<hbm>> -> memref<20000x128xf32, #tpu.memory_space<hbm>>
    tpu.wait_indirect_dma semaphore(%arg8 : memref<!tpu.dma_semaphore, #tpu.memory_space<semaphore_mem>>) src(%dma_wait3A_55 : memref<20000x128xf32, #tpu.memory_space<hbm>>) dst(%arg6 : memref<128x128xf32, #tpu.memory_space<vmem>>)
    %mul3A_56 = arith.constant 1280 : i32
    %mul3A_57 = arith.muli %add3A, %mul3A_56 : i32
    %add3A_58 = arith.constant 256 : i32
    %add3A_59 = arith.addi %mul3A_57, %add3A_58 : i32
    "tpu.region"() ({
      %run_scoped3A = tpu.sem_alloc : memref<!tpu.dma_semaphore, #tpu.memory_space<semaphore_mem>>
      %dma_start3A_179 = arith.constant 0 : i32
      %dma_start3A_180 = tpu.memref_slice %arg4[%add3A_59, %dma_start3A_179] : memref<40960x128xf32, #tpu.memory_space<hbm>> -> memref<128x128xf32, #tpu.memory_space<hbm>>
      %dma_start3A_181 = arith.constant 0 : i32
      %dma_start3A_182 = tpu.memref_slice %arg4[%add3A_59, %dma_start3A_181] : memref<40960x128xf32, #tpu.memory_space<hbm>> -> memref<128x128xf32, #tpu.memory_space<hbm>>
      tpu.enqueue_dma source(%arg6 : memref<128x128xf32, #tpu.memory_space<vmem>>) target(%dma_start3A_182 : memref<128x128xf32, #tpu.memory_space<hbm>>) target_semaphore(%run_scoped3A : memref<!tpu.dma_semaphore, #tpu.memory_space<semaphore_mem>>)
      %dma_wait3A_183 = arith.constant 0 : i32
      %dma_wait3A_184 = tpu.memref_slice %arg4[%add3A_59, %dma_wait3A_183] : memref<40960x128xf32, #tpu.memory_space<hbm>> -> memref<128x128xf32, #tpu.memory_space<hbm>>
      %dma_wait3A_185 = arith.constant 0 : i32
      %dma_wait3A_186 = tpu.memref_slice %arg4[%add3A_59, %dma_wait3A_185] : memref<40960x128xf32, #tpu.memory_space<hbm>> -> memref<128x128xf32, #tpu.memory_space<hbm>>
      tpu.wait_dma2 semaphore(%run_scoped3A : memref<!tpu.dma_semaphore, #tpu.memory_space<semaphore_mem>>) src(%arg6 : memref<128x128xf32, #tpu.memory_space<vmem>>) dst(%dma_wait3A_186 : memref<128x128xf32, #tpu.memory_space<hbm>>)
      tpu.yield
    }) : () -> ()
    %dma_start3A_60 = arith.constant 4 : i32
    %dma_start3A_61 = arith.constant 0 : i32
    %dma_start3A_62 = tpu.memref_slice %arg5[%dma_start3A_60, %dma_start3A_61] : memref<10x128xi32, #tpu.memory_space<vmem>> -> memref<1x128xi32, #tpu.memory_space<vmem>>
    %dma_start3A_63 = tpu.memref_squeeze %dma_start3A_62 : memref<1x128xi32, #tpu.memory_space<vmem>> -> memref<128xi32, #tpu.memory_space<vmem>>
    %dma_start3A_64 = arith.constant 0 : i32
    %dma_start3A_65 = arith.constant 0 : i32
    %dma_start3A_66 = tpu.memref_slice %arg2[%dma_start3A_64, %dma_start3A_65] : memref<20000x128xf32, #tpu.memory_space<hbm>> -> memref<20000x128xf32, #tpu.memory_space<hbm>>
    tpu.enqueue_indirect_dma source(%dma_start3A_66 : memref<20000x128xf32, #tpu.memory_space<hbm>>) target(%arg6 : memref<128x128xf32, #tpu.memory_space<vmem>>) offsets(%dma_start3A_63 : memref<128xi32, #tpu.memory_space<vmem>>) semaphore(%arg8 : memref<!tpu.dma_semaphore, #tpu.memory_space<semaphore_mem>>)
    %dma_wait3A_67 = arith.constant 3 : i32
    %dma_wait3A_68 = arith.constant 0 : i32
    %dma_wait3A_69 = tpu.memref_slice %arg5[%dma_wait3A_67, %dma_wait3A_68] : memref<10x128xi32, #tpu.memory_space<vmem>> -> memref<1x128xi32, #tpu.memory_space<vmem>>
    %dma_wait3A_70 = tpu.memref_squeeze %dma_wait3A_69 : memref<1x128xi32, #tpu.memory_space<vmem>> -> memref<128xi32, #tpu.memory_space<vmem>>
    %dma_wait3A_71 = arith.constant 0 : i32
    %dma_wait3A_72 = arith.constant 0 : i32
    %dma_wait3A_73 = tpu.memref_slice %arg2[%dma_wait3A_71, %dma_wait3A_72] : memref<20000x128xf32, #tpu.memory_space<hbm>> -> memref<20000x128xf32, #tpu.memory_space<hbm>>
    tpu.wait_indirect_dma semaphore(%arg9 : memref<!tpu.dma_semaphore, #tpu.memory_space<semaphore_mem>>) src(%dma_wait3A_73 : memref<20000x128xf32, #tpu.memory_space<hbm>>) dst(%arg7 : memref<128x128xf32, #tpu.memory_space<vmem>>)
    %mul3A_74 = arith.constant 1280 : i32
    %mul3A_75 = arith.muli %add3A, %mul3A_74 : i32
    %add3A_76 = arith.constant 384 : i32
    %add3A_77 = arith.addi %mul3A_75, %add3A_76 : i32
    "tpu.region"() ({
      %run_scoped3A = tpu.sem_alloc : memref<!tpu.dma_semaphore, #tpu.memory_space<semaphore_mem>>
      %dma_start3A_179 = arith.constant 0 : i32
      %dma_start3A_180 = tpu.memref_slice %arg4[%add3A_77, %dma_start3A_179] : memref<40960x128xf32, #tpu.memory_space<hbm>> -> memref<128x128xf32, #tpu.memory_space<hbm>>
      %dma_start3A_181 = arith.constant 0 : i32
      %dma_start3A_182 = tpu.memref_slice %arg4[%add3A_77, %dma_start3A_181] : memref<40960x128xf32, #tpu.memory_space<hbm>> -> memref<128x128xf32, #tpu.memory_space<hbm>>
      tpu.enqueue_dma source(%arg7 : memref<128x128xf32, #tpu.memory_space<vmem>>) target(%dma_start3A_182 : memref<128x128xf32, #tpu.memory_space<hbm>>) target_semaphore(%run_scoped3A : memref<!tpu.dma_semaphore, #tpu.memory_space<semaphore_mem>>)
      %dma_wait3A_183 = arith.constant 0 : i32
      %dma_wait3A_184 = tpu.memref_slice %arg4[%add3A_77, %dma_wait3A_183] : memref<40960x128xf32, #tpu.memory_space<hbm>> -> memref<128x128xf32, #tpu.memory_space<hbm>>
      %dma_wait3A_185 = arith.constant 0 : i32
      %dma_wait3A_186 = tpu.memref_slice %arg4[%add3A_77, %dma_wait3A_185] : memref<40960x128xf32, #tpu.memory_space<hbm>> -> memref<128x128xf32, #tpu.memory_space<hbm>>
      tpu.wait_dma2 semaphore(%run_scoped3A : memref<!tpu.dma_semaphore, #tpu.memory_space<semaphore_mem>>) src(%arg7 : memref<128x128xf32, #tpu.memory_space<vmem>>) dst(%dma_wait3A_186 : memref<128x128xf32, #tpu.memory_space<hbm>>)
      tpu.yield
    }) : () -> ()
    %dma_start3A_78 = arith.constant 5 : i32
    %dma_start3A_79 = arith.constant 0 : i32
    %dma_start3A_80 = tpu.memref_slice %arg5[%dma_start3A_78, %dma_start3A_79] : memref<10x128xi32, #tpu.memory_space<vmem>> -> memref<1x128xi32, #tpu.memory_space<vmem>>
    %dma_start3A_81 = tpu.memref_squeeze %dma_start3A_80 : memref<1x128xi32, #tpu.memory_space<vmem>> -> memref<128xi32, #tpu.memory_space<vmem>>
    %dma_start3A_82 = arith.constant 0 : i32
    %dma_start3A_83 = arith.constant 0 : i32
    %dma_start3A_84 = tpu.memref_slice %arg2[%dma_start3A_82, %dma_start3A_83] : memref<20000x128xf32, #tpu.memory_space<hbm>> -> memref<20000x128xf32, #tpu.memory_space<hbm>>
    tpu.enqueue_indirect_dma source(%dma_start3A_84 : memref<20000x128xf32, #tpu.memory_space<hbm>>) target(%arg7 : memref<128x128xf32, #tpu.memory_space<vmem>>) offsets(%dma_start3A_81 : memref<128xi32, #tpu.memory_space<vmem>>) semaphore(%arg9 : memref<!tpu.dma_semaphore, #tpu.memory_space<semaphore_mem>>)
    %dma_wait3A_85 = arith.constant 4 : i32
    %dma_wait3A_86 = arith.constant 0 : i32
    %dma_wait3A_87 = tpu.memref_slice %arg5[%dma_wait3A_85, %dma_wait3A_86] : memref<10x128xi32, #tpu.memory_space<vmem>> -> memref<1x128xi32, #tpu.memory_space<vmem>>
    %dma_wait3A_88 = tpu.memref_squeeze %dma_wait3A_87 : memref<1x128xi32, #tpu.memory_space<vmem>> -> memref<128xi32, #tpu.memory_space<vmem>>
    %dma_wait3A_89 = arith.constant 0 : i32
    %dma_wait3A_90 = arith.constant 0 : i32
    %dma_wait3A_91 = tpu.memref_slice %arg2[%dma_wait3A_89, %dma_wait3A_90] : memref<20000x128xf32, #tpu.memory_space<hbm>> -> memref<20000x128xf32, #tpu.memory_space<hbm>>
    tpu.wait_indirect_dma semaphore(%arg8 : memref<!tpu.dma_semaphore, #tpu.memory_space<semaphore_mem>>) src(%dma_wait3A_91 : memref<20000x128xf32, #tpu.memory_space<hbm>>) dst(%arg6 : memref<128x128xf32, #tpu.memory_space<vmem>>)
    %mul3A_92 = arith.constant 1280 : i32
    %mul3A_93 = arith.muli %add3A, %mul3A_92 : i32
    %add3A_94 = arith.constant 512 : i32
    %add3A_95 = arith.addi %mul3A_93, %add3A_94 : i32
    "tpu.region"() ({
      %run_scoped3A = tpu.sem_alloc : memref<!tpu.dma_semaphore, #tpu.memory_space<semaphore_mem>>
      %dma_start3A_179 = arith.constant 0 : i32
      %dma_start3A_180 = tpu.memref_slice %arg4[%add3A_95, %dma_start3A_179] : memref<40960x128xf32, #tpu.memory_space<hbm>> -> memref<128x128xf32, #tpu.memory_space<hbm>>
      %dma_start3A_181 = arith.constant 0 : i32
      %dma_start3A_182 = tpu.memref_slice %arg4[%add3A_95, %dma_start3A_181] : memref<40960x128xf32, #tpu.memory_space<hbm>> -> memref<128x128xf32, #tpu.memory_space<hbm>>
      tpu.enqueue_dma source(%arg6 : memref<128x128xf32, #tpu.memory_space<vmem>>) target(%dma_start3A_182 : memref<128x128xf32, #tpu.memory_space<hbm>>) target_semaphore(%run_scoped3A : memref<!tpu.dma_semaphore, #tpu.memory_space<semaphore_mem>>)
      %dma_wait3A_183 = arith.constant 0 : i32
      %dma_wait3A_184 = tpu.memref_slice %arg4[%add3A_95, %dma_wait3A_183] : memref<40960x128xf32, #tpu.memory_space<hbm>> -> memref<128x128xf32, #tpu.memory_space<hbm>>
      %dma_wait3A_185 = arith.constant 0 : i32
      %dma_wait3A_186 = tpu.memref_slice %arg4[%add3A_95, %dma_wait3A_185] : memref<40960x128xf32, #tpu.memory_space<hbm>> -> memref<128x128xf32, #tpu.memory_space<hbm>>
      tpu.wait_dma2 semaphore(%run_scoped3A : memref<!tpu.dma_semaphore, #tpu.memory_space<semaphore_mem>>) src(%arg6 : memref<128x128xf32, #tpu.memory_space<vmem>>) dst(%dma_wait3A_186 : memref<128x128xf32, #tpu.memory_space<hbm>>)
      tpu.yield
    }) : () -> ()
    %dma_start3A_96 = arith.constant 6 : i32
    %dma_start3A_97 = arith.constant 0 : i32
    %dma_start3A_98 = tpu.memref_slice %arg5[%dma_start3A_96, %dma_start3A_97] : memref<10x128xi32, #tpu.memory_space<vmem>> -> memref<1x128xi32, #tpu.memory_space<vmem>>
    %dma_start3A_99 = tpu.memref_squeeze %dma_start3A_98 : memref<1x128xi32, #tpu.memory_space<vmem>> -> memref<128xi32, #tpu.memory_space<vmem>>
    %dma_start3A_100 = arith.constant 0 : i32
    %dma_start3A_101 = arith.constant 0 : i32
    %dma_start3A_102 = tpu.memref_slice %arg2[%dma_start3A_100, %dma_start3A_101] : memref<20000x128xf32, #tpu.memory_space<hbm>> -> memref<20000x128xf32, #tpu.memory_space<hbm>>
    tpu.enqueue_indirect_dma source(%dma_start3A_102 : memref<20000x128xf32, #tpu.memory_space<hbm>>) target(%arg6 : memref<128x128xf32, #tpu.memory_space<vmem>>) offsets(%dma_start3A_99 : memref<128xi32, #tpu.memory_space<vmem>>) semaphore(%arg8 : memref<!tpu.dma_semaphore, #tpu.memory_space<semaphore_mem>>)
    %dma_wait3A_103 = arith.constant 5 : i32
    %dma_wait3A_104 = arith.constant 0 : i32
    %dma_wait3A_105 = tpu.memref_slice %arg5[%dma_wait3A_103, %dma_wait3A_104] : memref<10x128xi32, #tpu.memory_space<vmem>> -> memref<1x128xi32, #tpu.memory_space<vmem>>
    %dma_wait3A_106 = tpu.memref_squeeze %dma_wait3A_105 : memref<1x128xi32, #tpu.memory_space<vmem>> -> memref<128xi32, #tpu.memory_space<vmem>>
    %dma_wait3A_107 = arith.constant 0 : i32
    %dma_wait3A_108 = arith.constant 0 : i32
    %dma_wait3A_109 = tpu.memref_slice %arg2[%dma_wait3A_107, %dma_wait3A_108] : memref<20000x128xf32, #tpu.memory_space<hbm>> -> memref<20000x128xf32, #tpu.memory_space<hbm>>
    tpu.wait_indirect_dma semaphore(%arg9 : memref<!tpu.dma_semaphore, #tpu.memory_space<semaphore_mem>>) src(%dma_wait3A_109 : memref<20000x128xf32, #tpu.memory_space<hbm>>) dst(%arg7 : memref<128x128xf32, #tpu.memory_space<vmem>>)
    %mul3A_110 = arith.constant 1280 : i32
    %mul3A_111 = arith.muli %add3A, %mul3A_110 : i32
    %add3A_112 = arith.constant 640 : i32
    %add3A_113 = arith.addi %mul3A_111, %add3A_112 : i32
    "tpu.region"() ({
      %run_scoped3A = tpu.sem_alloc : memref<!tpu.dma_semaphore, #tpu.memory_space<semaphore_mem>>
      %dma_start3A_179 = arith.constant 0 : i32
      %dma_start3A_180 = tpu.memref_slice %arg4[%add3A_113, %dma_start3A_179] : memref<40960x128xf32, #tpu.memory_space<hbm>> -> memref<128x128xf32, #tpu.memory_space<hbm>>
      %dma_start3A_181 = arith.constant 0 : i32
      %dma_start3A_182 = tpu.memref_slice %arg4[%add3A_113, %dma_start3A_181] : memref<40960x128xf32, #tpu.memory_space<hbm>> -> memref<128x128xf32, #tpu.memory_space<hbm>>
      tpu.enqueue_dma source(%arg7 : memref<128x128xf32, #tpu.memory_space<vmem>>) target(%dma_start3A_182 : memref<128x128xf32, #tpu.memory_space<hbm>>) target_semaphore(%run_scoped3A : memref<!tpu.dma_semaphore, #tpu.memory_space<semaphore_mem>>)
      %dma_wait3A_183 = arith.constant 0 : i32
      %dma_wait3A_184 = tpu.memref_slice %arg4[%add3A_113, %dma_wait3A_183] : memref<40960x128xf32, #tpu.memory_space<hbm>> -> memref<128x128xf32, #tpu.memory_space<hbm>>
      %dma_wait3A_185 = arith.constant 0 : i32
      %dma_wait3A_186 = tpu.memref_slice %arg4[%add3A_113, %dma_wait3A_185] : memref<40960x128xf32, #tpu.memory_space<hbm>> -> memref<128x128xf32, #tpu.memory_space<hbm>>
      tpu.wait_dma2 semaphore(%run_scoped3A : memref<!tpu.dma_semaphore, #tpu.memory_space<semaphore_mem>>) src(%arg7 : memref<128x128xf32, #tpu.memory_space<vmem>>) dst(%dma_wait3A_186 : memref<128x128xf32, #tpu.memory_space<hbm>>)
      tpu.yield
    }) : () -> ()
    %dma_start3A_114 = arith.constant 7 : i32
    %dma_start3A_115 = arith.constant 0 : i32
    %dma_start3A_116 = tpu.memref_slice %arg5[%dma_start3A_114, %dma_start3A_115] : memref<10x128xi32, #tpu.memory_space<vmem>> -> memref<1x128xi32, #tpu.memory_space<vmem>>
    %dma_start3A_117 = tpu.memref_squeeze %dma_start3A_116 : memref<1x128xi32, #tpu.memory_space<vmem>> -> memref<128xi32, #tpu.memory_space<vmem>>
    %dma_start3A_118 = arith.constant 0 : i32
    %dma_start3A_119 = arith.constant 0 : i32
    %dma_start3A_120 = tpu.memref_slice %arg2[%dma_start3A_118, %dma_start3A_119] : memref<20000x128xf32, #tpu.memory_space<hbm>> -> memref<20000x128xf32, #tpu.memory_space<hbm>>
    tpu.enqueue_indirect_dma source(%dma_start3A_120 : memref<20000x128xf32, #tpu.memory_space<hbm>>) target(%arg7 : memref<128x128xf32, #tpu.memory_space<vmem>>) offsets(%dma_start3A_117 : memref<128xi32, #tpu.memory_space<vmem>>) semaphore(%arg9 : memref<!tpu.dma_semaphore, #tpu.memory_space<semaphore_mem>>)
    %dma_wait3A_121 = arith.constant 6 : i32
    %dma_wait3A_122 = arith.constant 0 : i32
    %dma_wait3A_123 = tpu.memref_slice %arg5[%dma_wait3A_121, %dma_wait3A_122] : memref<10x128xi32, #tpu.memory_space<vmem>> -> memref<1x128xi32, #tpu.memory_space<vmem>>
    %dma_wait3A_124 = tpu.memref_squeeze %dma_wait3A_123 : memref<1x128xi32, #tpu.memory_space<vmem>> -> memref<128xi32, #tpu.memory_space<vmem>>
    %dma_wait3A_125 = arith.constant 0 : i32
    %dma_wait3A_126 = arith.constant 0 : i32
    %dma_wait3A_127 = tpu.memref_slice %arg2[%dma_wait3A_125, %dma_wait3A_126] : memref<20000x128xf32, #tpu.memory_space<hbm>> -> memref<20000x128xf32, #tpu.memory_space<hbm>>
    tpu.wait_indirect_dma semaphore(%arg8 : memref<!tpu.dma_semaphore, #tpu.memory_space<semaphore_mem>>) src(%dma_wait3A_127 : memref<20000x128xf32, #tpu.memory_space<hbm>>) dst(%arg6 : memref<128x128xf32, #tpu.memory_space<vmem>>)
    %mul3A_128 = arith.constant 1280 : i32
    %mul3A_129 = arith.muli %add3A, %mul3A_128 : i32
    %add3A_130 = arith.constant 768 : i32
    %add3A_131 = arith.addi %mul3A_129, %add3A_130 : i32
    "tpu.region"() ({
      %run_scoped3A = tpu.sem_alloc : memref<!tpu.dma_semaphore, #tpu.memory_space<semaphore_mem>>
      %dma_start3A_179 = arith.constant 0 : i32
      %dma_start3A_180 = tpu.memref_slice %arg4[%add3A_131, %dma_start3A_179] : memref<40960x128xf32, #tpu.memory_space<hbm>> -> memref<128x128xf32, #tpu.memory_space<hbm>>
      %dma_start3A_181 = arith.constant 0 : i32
      %dma_start3A_182 = tpu.memref_slice %arg4[%add3A_131, %dma_start3A_181] : memref<40960x128xf32, #tpu.memory_space<hbm>> -> memref<128x128xf32, #tpu.memory_space<hbm>>
      tpu.enqueue_dma source(%arg6 : memref<128x128xf32, #tpu.memory_space<vmem>>) target(%dma_start3A_182 : memref<128x128xf32, #tpu.memory_space<hbm>>) target_semaphore(%run_scoped3A : memref<!tpu.dma_semaphore, #tpu.memory_space<semaphore_mem>>)
      %dma_wait3A_183 = arith.constant 0 : i32
      %dma_wait3A_184 = tpu.memref_slice %arg4[%add3A_131, %dma_wait3A_183] : memref<40960x128xf32, #tpu.memory_space<hbm>> -> memref<128x128xf32, #tpu.memory_space<hbm>>
      %dma_wait3A_185 = arith.constant 0 : i32
      %dma_wait3A_186 = tpu.memref_slice %arg4[%add3A_131, %dma_wait3A_185] : memref<40960x128xf32, #tpu.memory_space<hbm>> -> memref<128x128xf32, #tpu.memory_space<hbm>>
      tpu.wait_dma2 semaphore(%run_scoped3A : memref<!tpu.dma_semaphore, #tpu.memory_space<semaphore_mem>>) src(%arg6 : memref<128x128xf32, #tpu.memory_space<vmem>>) dst(%dma_wait3A_186 : memref<128x128xf32, #tpu.memory_space<hbm>>)
      tpu.yield
    }) : () -> ()
    %dma_start3A_132 = arith.constant 8 : i32
    %dma_start3A_133 = arith.constant 0 : i32
    %dma_start3A_134 = tpu.memref_slice %arg5[%dma_start3A_132, %dma_start3A_133] : memref<10x128xi32, #tpu.memory_space<vmem>> -> memref<1x128xi32, #tpu.memory_space<vmem>>
    %dma_start3A_135 = tpu.memref_squeeze %dma_start3A_134 : memref<1x128xi32, #tpu.memory_space<vmem>> -> memref<128xi32, #tpu.memory_space<vmem>>
    %dma_start3A_136 = arith.constant 0 : i32
    %dma_start3A_137 = arith.constant 0 : i32
    %dma_start3A_138 = tpu.memref_slice %arg2[%dma_start3A_136, %dma_start3A_137] : memref<20000x128xf32, #tpu.memory_space<hbm>> -> memref<20000x128xf32, #tpu.memory_space<hbm>>
    tpu.enqueue_indirect_dma source(%dma_start3A_138 : memref<20000x128xf32, #tpu.memory_space<hbm>>) target(%arg6 : memref<128x128xf32, #tpu.memory_space<vmem>>) offsets(%dma_start3A_135 : memref<128xi32, #tpu.memory_space<vmem>>) semaphore(%arg8 : memref<!tpu.dma_semaphore, #tpu.memory_space<semaphore_mem>>)
    %dma_wait3A_139 = arith.constant 7 : i32
    %dma_wait3A_140 = arith.constant 0 : i32
    %dma_wait3A_141 = tpu.memref_slice %arg5[%dma_wait3A_139, %dma_wait3A_140] : memref<10x128xi32, #tpu.memory_space<vmem>> -> memref<1x128xi32, #tpu.memory_space<vmem>>
    %dma_wait3A_142 = tpu.memref_squeeze %dma_wait3A_141 : memref<1x128xi32, #tpu.memory_space<vmem>> -> memref<128xi32, #tpu.memory_space<vmem>>
    %dma_wait3A_143 = arith.constant 0 : i32
    %dma_wait3A_144 = arith.constant 0 : i32
    %dma_wait3A_145 = tpu.memref_slice %arg2[%dma_wait3A_143, %dma_wait3A_144] : memref<20000x128xf32, #tpu.memory_space<hbm>> -> memref<20000x128xf32, #tpu.memory_space<hbm>>
    tpu.wait_indirect_dma semaphore(%arg9 : memref<!tpu.dma_semaphore, #tpu.memory_space<semaphore_mem>>) src(%dma_wait3A_145 : memref<20000x128xf32, #tpu.memory_space<hbm>>) dst(%arg7 : memref<128x128xf32, #tpu.memory_space<vmem>>)
    %mul3A_146 = arith.constant 1280 : i32
    %mul3A_147 = arith.muli %add3A, %mul3A_146 : i32
    %add3A_148 = arith.constant 896 : i32
    %add3A_149 = arith.addi %mul3A_147, %add3A_148 : i32
    "tpu.region"() ({
      %run_scoped3A = tpu.sem_alloc : memref<!tpu.dma_semaphore, #tpu.memory_space<semaphore_mem>>
      %dma_start3A_179 = arith.constant 0 : i32
      %dma_start3A_180 = tpu.memref_slice %arg4[%add3A_149, %dma_start3A_179] : memref<40960x128xf32, #tpu.memory_space<hbm>> -> memref<128x128xf32, #tpu.memory_space<hbm>>
      %dma_start3A_181 = arith.constant 0 : i32
      %dma_start3A_182 = tpu.memref_slice %arg4[%add3A_149, %dma_start3A_181] : memref<40960x128xf32, #tpu.memory_space<hbm>> -> memref<128x128xf32, #tpu.memory_space<hbm>>
      tpu.enqueue_dma source(%arg7 : memref<128x128xf32, #tpu.memory_space<vmem>>) target(%dma_start3A_182 : memref<128x128xf32, #tpu.memory_space<hbm>>) target_semaphore(%run_scoped3A : memref<!tpu.dma_semaphore, #tpu.memory_space<semaphore_mem>>)
      %dma_wait3A_183 = arith.constant 0 : i32
      %dma_wait3A_184 = tpu.memref_slice %arg4[%add3A_149, %dma_wait3A_183] : memref<40960x128xf32, #tpu.memory_space<hbm>> -> memref<128x128xf32, #tpu.memory_space<hbm>>
      %dma_wait3A_185 = arith.constant 0 : i32
      %dma_wait3A_186 = tpu.memref_slice %arg4[%add3A_149, %dma_wait3A_185] : memref<40960x128xf32, #tpu.memory_space<hbm>> -> memref<128x128xf32, #tpu.memory_space<hbm>>
      tpu.wait_dma2 semaphore(%run_scoped3A : memref<!tpu.dma_semaphore, #tpu.memory_space<semaphore_mem>>) src(%arg7 : memref<128x128xf32, #tpu.memory_space<vmem>>) dst(%dma_wait3A_186 : memref<128x128xf32, #tpu.memory_space<hbm>>)
      tpu.yield
    }) : () -> ()
    %dma_start3A_150 = arith.constant 9 : i32
    %dma_start3A_151 = arith.constant 0 : i32
    %dma_start3A_152 = tpu.memref_slice %arg5[%dma_start3A_150, %dma_start3A_151] : memref<10x128xi32, #tpu.memory_space<vmem>> -> memref<1x128xi32, #tpu.memory_space<vmem>>
    %dma_start3A_153 = tpu.memref_squeeze %dma_start3A_152 : memref<1x128xi32, #tpu.memory_space<vmem>> -> memref<128xi32, #tpu.memory_space<vmem>>
    %dma_start3A_154 = arith.constant 0 : i32
    %dma_start3A_155 = arith.constant 0 : i32
    %dma_start3A_156 = tpu.memref_slice %arg2[%dma_start3A_154, %dma_start3A_155] : memref<20000x128xf32, #tpu.memory_space<hbm>> -> memref<20000x128xf32, #tpu.memory_space<hbm>>
    tpu.enqueue_indirect_dma source(%dma_start3A_156 : memref<20000x128xf32, #tpu.memory_space<hbm>>) target(%arg7 : memref<128x128xf32, #tpu.memory_space<vmem>>) offsets(%dma_start3A_153 : memref<128xi32, #tpu.memory_space<vmem>>) semaphore(%arg9 : memref<!tpu.dma_semaphore, #tpu.memory_space<semaphore_mem>>)
    %dma_wait3A_157 = arith.constant 8 : i32
    %dma_wait3A_158 = arith.constant 0 : i32
    %dma_wait3A_159 = tpu.memref_slice %arg5[%dma_wait3A_157, %dma_wait3A_158] : memref<10x128xi32, #tpu.memory_space<vmem>> -> memref<1x128xi32, #tpu.memory_space<vmem>>
    %dma_wait3A_160 = tpu.memref_squeeze %dma_wait3A_159 : memref<1x128xi32, #tpu.memory_space<vmem>> -> memref<128xi32, #tpu.memory_space<vmem>>
    %dma_wait3A_161 = arith.constant 0 : i32
    %dma_wait3A_162 = arith.constant 0 : i32
    %dma_wait3A_163 = tpu.memref_slice %arg2[%dma_wait3A_161, %dma_wait3A_162] : memref<20000x128xf32, #tpu.memory_space<hbm>> -> memref<20000x128xf32, #tpu.memory_space<hbm>>
    tpu.wait_indirect_dma semaphore(%arg8 : memref<!tpu.dma_semaphore, #tpu.memory_space<semaphore_mem>>) src(%dma_wait3A_163 : memref<20000x128xf32, #tpu.memory_space<hbm>>) dst(%arg6 : memref<128x128xf32, #tpu.memory_space<vmem>>)
    %mul3A_164 = arith.constant 1280 : i32
    %mul3A_165 = arith.muli %add3A, %mul3A_164 : i32
    %add3A_166 = arith.constant 1024 : i32
    %add3A_167 = arith.addi %mul3A_165, %add3A_166 : i32
    "tpu.region"() ({
      %run_scoped3A = tpu.sem_alloc : memref<!tpu.dma_semaphore, #tpu.memory_space<semaphore_mem>>
      %dma_start3A_179 = arith.constant 0 : i32
      %dma_start3A_180 = tpu.memref_slice %arg4[%add3A_167, %dma_start3A_179] : memref<40960x128xf32, #tpu.memory_space<hbm>> -> memref<128x128xf32, #tpu.memory_space<hbm>>
      %dma_start3A_181 = arith.constant 0 : i32
      %dma_start3A_182 = tpu.memref_slice %arg4[%add3A_167, %dma_start3A_181] : memref<40960x128xf32, #tpu.memory_space<hbm>> -> memref<128x128xf32, #tpu.memory_space<hbm>>
      tpu.enqueue_dma source(%arg6 : memref<128x128xf32, #tpu.memory_space<vmem>>) target(%dma_start3A_182 : memref<128x128xf32, #tpu.memory_space<hbm>>) target_semaphore(%run_scoped3A : memref<!tpu.dma_semaphore, #tpu.memory_space<semaphore_mem>>)
      %dma_wait3A_183 = arith.constant 0 : i32
      %dma_wait3A_184 = tpu.memref_slice %arg4[%add3A_167, %dma_wait3A_183] : memref<40960x128xf32, #tpu.memory_space<hbm>> -> memref<128x128xf32, #tpu.memory_space<hbm>>
      %dma_wait3A_185 = arith.constant 0 : i32
      %dma_wait3A_186 = tpu.memref_slice %arg4[%add3A_167, %dma_wait3A_185] : memref<40960x128xf32, #tpu.memory_space<hbm>> -> memref<128x128xf32, #tpu.memory_space<hbm>>
      tpu.wait_dma2 semaphore(%run_scoped3A : memref<!tpu.dma_semaphore, #tpu.memory_space<semaphore_mem>>) src(%arg6 : memref<128x128xf32, #tpu.memory_space<vmem>>) dst(%dma_wait3A_186 : memref<128x128xf32, #tpu.memory_space<hbm>>)
      tpu.yield
    }) : () -> ()
    %dma_wait3A_168 = arith.constant 9 : i32
    %dma_wait3A_169 = arith.constant 0 : i32
    %dma_wait3A_170 = tpu.memref_slice %arg5[%dma_wait3A_168, %dma_wait3A_169] : memref<10x128xi32, #tpu.memory_space<vmem>> -> memref<1x128xi32, #tpu.memory_space<vmem>>
    %dma_wait3A_171 = tpu.memref_squeeze %dma_wait3A_170 : memref<1x128xi32, #tpu.memory_space<vmem>> -> memref<128xi32, #tpu.memory_space<vmem>>
    %dma_wait3A_172 = arith.constant 0 : i32
    %dma_wait3A_173 = arith.constant 0 : i32
    %dma_wait3A_174 = tpu.memref_slice %arg2[%dma_wait3A_172, %dma_wait3A_173] : memref<20000x128xf32, #tpu.memory_space<hbm>> -> memref<20000x128xf32, #tpu.memory_space<hbm>>
    tpu.wait_indirect_dma semaphore(%arg9 : memref<!tpu.dma_semaphore, #tpu.memory_space<semaphore_mem>>) src(%dma_wait3A_174 : memref<20000x128xf32, #tpu.memory_space<hbm>>) dst(%arg7 : memref<128x128xf32, #tpu.memory_space<vmem>>)
    %mul3A_175 = arith.constant 1280 : i32
    %mul3A_176 = arith.muli %add3A, %mul3A_175 : i32
    %add3A_177 = arith.constant 1152 : i32
    %add3A_178 = arith.addi %mul3A_176, %add3A_177 : i32
    "tpu.region"() ({
      %run_scoped3A = tpu.sem_alloc : memref<!tpu.dma_semaphore, #tpu.memory_space<semaphore_mem>>
      %dma_start3A_179 = arith.constant 0 : i32
      %dma_start3A_180 = tpu.memref_slice %arg4[%add3A_178, %dma_start3A_179] : memref<40960x128xf32, #tpu.memory_space<hbm>> -> memref<128x128xf32, #tpu.memory_space<hbm>>
      %dma_start3A_181 = arith.constant 0 : i32
      %dma_start3A_182 = tpu.memref_slice %arg4[%add3A_178, %dma_start3A_181] : memref<40960x128xf32, #tpu.memory_space<hbm>> -> memref<128x128xf32, #tpu.memory_space<hbm>>
      tpu.enqueue_dma source(%arg7 : memref<128x128xf32, #tpu.memory_space<vmem>>) target(%dma_start3A_182 : memref<128x128xf32, #tpu.memory_space<hbm>>) target_semaphore(%run_scoped3A : memref<!tpu.dma_semaphore, #tpu.memory_space<semaphore_mem>>)
      %dma_wait3A_183 = arith.constant 0 : i32
      %dma_wait3A_184 = tpu.memref_slice %arg4[%add3A_178, %dma_wait3A_183] : memref<40960x128xf32, #tpu.memory_space<hbm>> -> memref<128x128xf32, #tpu.memory_space<hbm>>
      %dma_wait3A_185 = arith.constant 0 : i32
      %dma_wait3A_186 = tpu.memref_slice %arg4[%add3A_178, %dma_wait3A_185] : memref<40960x128xf32, #tpu.memory_space<hbm>> -> memref<128x128xf32, #tpu.memory_space<hbm>>
      tpu.wait_dma2 semaphore(%run_scoped3A : memref<!tpu.dma_semaphore, #tpu.memory_space<semaphore_mem>>) src(%arg7 : memref<128x128xf32, #tpu.memory_space<vmem>>) dst(%dma_wait3A_186 : memref<128x128xf32, #tpu.memory_space<hbm>>)
      tpu.yield
    }) : () -> ()
    return
  }
}

module attributes {stable_mosaic.version = 14 : i64} {
  func.func @_tc_scatter_body(%arg0: i32, %arg1: i32, %arg2: memref<1024x1xi32, #tpu.memory_space<vmem>>, %arg3: memref<1024x64xf32, #tpu.memory_space<vmem>>, %arg4: memref<1024x64xf32, #tpu.memory_space<vmem>>, %arg5: memref<1024x64xf32, #tpu.memory_space<vmem>>) attributes {dimension_semantics = [#tpu.dimension_semantics<arbitrary>, #tpu.dimension_semantics<arbitrary>], iteration_bounds = array<i64: 20, 40>, scalar_prefetch = 0 : i64, scratch_operands = 0 : i64, tpu.core_type = #tpu.core_type<tc>, window_params = [{transform_indices = @transform_0, window_bounds = array<i64: 1024, 1>}, {transform_indices = @transform_1, window_bounds = array<i64: 1024, 64>}, {transform_indices = @transform_2, window_bounds = array<i64: 1024, 64>}, {transform_indices = @transform_3, window_bounds = array<i64: 1024, 64>}]} {
    %eq3A = arith.constant 0 : i32
    %eq3A_0 = arith.cmpi eq, %arg1, %eq3A : i32
    %convert_element_type3A = arith.extui %eq3A_0 : i1 to i32
    %cond3A = arith.constant 0 : i32
    %cond3A_1 = arith.cmpi ne, %convert_element_type3A, %cond3A : i32
    scf.if %cond3A_1 {
      %get3A_21 = arith.constant 0 : index
      %get3A_22 = arith.constant 0 : index
      %get3A_23 = vector.load %arg4[%get3A_21, %get3A_22] : memref<1024x64xf32, #tpu.memory_space<vmem>>, vector<1024x64xf32>
      %swap3A_24 = arith.constant 0 : index
      %swap3A_25 = arith.constant 0 : index
      %swap3A_26 = vector.load %arg5[%swap3A_24, %swap3A_25] : memref<1024x64xf32, #tpu.memory_space<vmem>>, vector<1024x64xf32>
      tpu.vector_store %arg5[%swap3A_24, %swap3A_25], %get3A_23 {strides = array<i32>} : memref<1024x64xf32, #tpu.memory_space<vmem>>, vector<1024x64xf32>,
    } else {
    }
    %mul3A = arith.constant 1024 : i32
    %mul3A_2 = arith.muli %arg0, %mul3A : i32
    %iota3A = tpu.iota {dimensions = array<i32: 0>} : vector<1024x1xi32>
    %add3A = vector.broadcast %mul3A_2 : i32 to vector<1024x1xi32>
    %add3A_3 = arith.addi %add3A, %iota3A : vector<1024x1xi32>
    %get3A = arith.constant 0 : index
    %get3A_4 = arith.constant 0 : index
    %get3A_5 = vector.load %arg2[%get3A, %get3A_4] : memref<1024x1xi32, #tpu.memory_space<vmem>>, vector<1024x1xi32>
    %reshape3A = vector.shape_cast %get3A_5 : vector<1024x1xi32> to vector<1x1024xi32>
    %eq3A_6 = vector.broadcast %add3A_3 : vector<1024x1xi32> to vector<1024x1024xi32>
    %eq3A_7 = vector.broadcast %reshape3A : vector<1x1024xi32> to vector<1024x1024xi32>
    %eq3A_8 = arith.cmpi eq, %eq3A_6, %eq3A_7 : vector<1024x1024xi32>
    %convert_element_type3A_9 = arith.extui %eq3A_8 : vector<1024x1024xi1> to vector<1024x1024xi32>
    %convert_element_type3A_10 = arith.sitofp %convert_element_type3A_9 : vector<1024x1024xi32> to vector<1024x1024xf32>
    %get3A_11 = arith.constant 0 : index
    %get3A_12 = arith.constant 0 : index
    %get3A_13 = vector.load %arg5[%get3A_11, %get3A_12] : memref<1024x64xf32, #tpu.memory_space<vmem>>, vector<1024x64xf32>
    %get3A_14 = arith.constant 0 : index
    %get3A_15 = arith.constant 0 : index
    %get3A_16 = vector.load %arg3[%get3A_14, %get3A_15] : memref<1024x64xf32, #tpu.memory_space<vmem>>, vector<1024x64xf32>
    %dot_general3A = arith.constant dense<0.000000e+00> : vector<1024x64xf32>
    %dot_general3A_17 = tpu.matmul %convert_element_type3A_10, %get3A_16, %dot_general3A {dimension_numbers = #tpu.dot_dimension_numbers<[1], [0], [0], [1], [0, 0, 1, 1], [], []>, transpose_lhs_hint = false} : vector<1024x1024xf32>, vector<1024x64xf32>, vector<1024x64xf32> -> vector<1024x64xf32>
    %add3A_18 = arith.addf %get3A_13, %dot_general3A_17 : vector<1024x64xf32>
    %swap3A = arith.constant 0 : index
    %swap3A_19 = arith.constant 0 : index
    %swap3A_20 = vector.load %arg5[%swap3A, %swap3A_19] : memref<1024x64xf32, #tpu.memory_space<vmem>>, vector<1024x64xf32>
    tpu.vector_store %arg5[%swap3A, %swap3A_19], %add3A_18 {strides = array<i32>} : memref<1024x64xf32, #tpu.memory_space<vmem>>, vector<1024x64xf32>,
    return
  }
  func.func @transform_0(%arg0: i32, %arg1: i32) -> (i32, i32) {
    %c0_i32 = arith.constant 0 : i32
    %c0_i32_0 = arith.constant 0 : i32
    return %arg1, %c0_i32 : i32, i32
  }
  func.func @transform_1(%arg0: i32, %arg1: i32) -> (i32, i32) {
    %c0_i32 = arith.constant 0 : i32
    %c0_i32_0 = arith.constant 0 : i32
    return %arg1, %c0_i32 : i32, i32
  }
  func.func @transform_2(%arg0: i32, %arg1: i32) -> (i32, i32) {
    %c0_i32 = arith.constant 0 : i32
    %c0_i32_0 = arith.constant 0 : i32
    return %arg0, %c0_i32 : i32, i32
  }
  func.func @transform_3(%arg0: i32, %arg1: i32) -> (i32, i32) {
    %c0_i32 = arith.constant 0 : i32
    %c0_i32_0 = arith.constant 0 : i32
    return %arg0, %c0_i32 : i32, i32
  }
}

module attributes {stable_mosaic.version = 14 : i64} {
  func.func @_tc_body(%arg0: i32, %arg1: memref<1024x1xi32, #tpu.memory_space<vmem>>, %arg2: memref<1024x128xf32, #tpu.memory_space<vmem>>, %arg3: memref<1024x64xf32, #tpu.memory_space<vmem>>, %arg4: memref<1x128x2560xf32, #tpu.memory_space<vmem>>, %arg5: memref<1x40x64xf32, #tpu.memory_space<vmem>>, %arg6: memref<64x64xf32, #tpu.memory_space<vmem>>, %arg7: memref<1x64xf32, #tpu.memory_space<vmem>>, %arg8: memref<1024x64xf32, #tpu.memory_space<vmem>>, %arg9: memref<1024x64xf32, #tpu.memory_space<vmem>>) attributes {dimension_semantics = [#tpu.dimension_semantics<arbitrary>], iteration_bounds = array<i64: 40>, scalar_prefetch = 0 : i64, scratch_operands = 0 : i64, tpu.core_type = #tpu.core_type<tc>, window_params = [{transform_indices = @transform_0, window_bounds = array<i64: 1024, 1>}, {transform_indices = @transform_1, window_bounds = array<i64: 1024, 128>}, {transform_indices = @transform_2, window_bounds = array<i64: 1024, 64>}, {transform_indices = @transform_3, window_bounds = array<i64: 1, 128, 2560>}, {transform_indices = @transform_4, window_bounds = array<i64: 1, 40, 64>}, {pipeline_mode = #tpu.pipeline_mode<synchronous>, transform_indices = @transform_5, window_bounds = array<i64: 64, 64>}, {pipeline_mode = #tpu.pipeline_mode<synchronous>, transform_indices = @transform_6, window_bounds = array<i64: 1, 64>}, {transform_indices = @transform_7, window_bounds = array<i64: 1024, 64>}, {transform_indices = @transform_8, window_bounds = array<i64: 1024, 64>}]} {
    %get3A = arith.constant 0 : index
    %get3A_0 = arith.constant 0 : index
    %get3A_1 = vector.load %arg2[%get3A, %get3A_0] : memref<1024x128xf32, #tpu.memory_space<vmem>>, vector<1024x128xf32>
    %get3A_2 = arith.constant 0 : index
    %get3A_3 = arith.constant 0 : index
    %get3A_4 = vector.load %arg1[%get3A_2, %get3A_3] : memref<1024x1xi32, #tpu.memory_space<vmem>>, vector<1024x1xi32>
    %iota3A = tpu.iota {dimensions = array<i32: 1>} : vector<1x40xi32>
    %eq3A = vector.broadcast %get3A_4 : vector<1024x1xi32> to vector<1024x40xi32>
    %eq3A_5 = vector.broadcast %iota3A : vector<1x40xi32> to vector<1024x40xi32>
    %eq3A_6 = arith.cmpi eq, %eq3A, %eq3A_5 : vector<1024x40xi32>
    %convert_element_type3A = arith.extui %eq3A_6 : vector<1024x40xi1> to vector<1024x40xi32>
    %convert_element_type3A_7 = arith.sitofp %convert_element_type3A : vector<1024x40xi32> to vector<1024x40xf32>
    %get3A_8 = arith.constant 0 : index
    %get3A_9 = arith.constant 0 : index
    %get3A_10 = arith.constant 0 : index
    %get3A_11 = vector.load %arg5[%get3A_8, %get3A_9, %get3A_10] : memref<1x40x64xf32, #tpu.memory_space<vmem>>, vector<1x40x64xf32>
    %get3A_12 = vector.shape_cast %get3A_11 : vector<1x40x64xf32> to vector<40x64xf32>
    %dot_general3A = arith.constant dense<0.000000e+00> : vector<1024x64xf32>
    %dot_general3A_13 = tpu.matmul %convert_element_type3A_7, %get3A_12, %dot_general3A {dimension_numbers = #tpu.dot_dimension_numbers<[1], [0], [0], [1], [0, 0, 1, 1], [], []>, transpose_lhs_hint = false} : vector<1024x40xf32>, vector<40x64xf32>, vector<1024x64xf32> -> vector<1024x64xf32>
    %get3A_14 = arith.constant 0 : index
    %get3A_15 = arith.constant 0 : index
    %get3A_16 = arith.constant 0 : index
    %get3A_17 = vector.load %arg4[%get3A_14, %get3A_15, %get3A_16] : memref<1x128x2560xf32, #tpu.memory_space<vmem>>, vector<1x128x2560xf32>
    %get3A_18 = vector.shape_cast %get3A_17 : vector<1x128x2560xf32> to vector<128x2560xf32>
    %dot_general3A_19 = arith.constant dense<0.000000e+00> : vector<1024x2560xf32>
    %dot_general3A_20 = tpu.matmul %get3A_1, %get3A_18, %dot_general3A_19 {dimension_numbers = #tpu.dot_dimension_numbers<[1], [0], [0], [1], [0, 0, 1, 1], [], []>, transpose_lhs_hint = false} : vector<1024x128xf32>, vector<128x2560xf32>, vector<1024x2560xf32> -> vector<1024x2560xf32>
    %jit3A = arith.constant 2 : i32
    %div3A = vector.broadcast %jit3A : i32 to vector<1024x1xi32>
    %div3A_21 = arith.divsi %get3A_4, %div3A : vector<1024x1xi32>
    %sign3A = arith.constant 0 : i32
    %sign3A_22 = vector.broadcast %sign3A : i32 to vector<1024x1xi32>
    %sign3A_23 = arith.cmpi sgt, %get3A_4, %sign3A_22 : vector<1024x1xi32>
    %sign3A_24 = arith.extui %sign3A_23 : vector<1024x1xi1> to vector<1024x1xi32>
    %sign3A_25 = arith.constant 0 : i32
    %sign3A_26 = vector.broadcast %sign3A_25 : i32 to vector<1024x1xi32>
    %sign3A_27 = arith.cmpi slt, %get3A_4, %sign3A_26 : vector<1024x1xi32>
    %sign3A_28 = arith.extui %sign3A_27 : vector<1024x1xi1> to vector<1024x1xi32>
    %sign3A_29 = arith.subi %sign3A_24, %sign3A_28 : vector<1024x1xi32>
    %sign3A_30 = arith.constant 0 : i32
    %sign3A_31 = arith.cmpi sgt, %jit3A, %sign3A_30 : i32
    %sign3A_32 = arith.extui %sign3A_31 : i1 to i32
    %sign3A_33 = arith.constant 0 : i32
    %sign3A_34 = arith.cmpi slt, %jit3A, %sign3A_33 : i32
    %sign3A_35 = arith.extui %sign3A_34 : i1 to i32
    %sign3A_36 = arith.subi %sign3A_32, %sign3A_35 : i32
    %ne3A = vector.broadcast %sign3A_36 : i32 to vector<1024x1xi32>
    %ne3A_37 = arith.cmpi ne, %sign3A_29, %ne3A : vector<1024x1xi32>
    %rem3A = vector.broadcast %jit3A : i32 to vector<1024x1xi32>
    %rem3A_38 = arith.remsi %get3A_4, %rem3A : vector<1024x1xi32>
    %ne3A_39 = arith.constant 0 : i32
    %ne3A_40 = vector.broadcast %ne3A_39 : i32 to vector<1024x1xi32>
    %ne3A_41 = arith.cmpi ne, %rem3A_38, %ne3A_40 : vector<1024x1xi32>
    %and3A = arith.andi %ne3A_37, %ne3A_41 : vector<1024x1xi1>
    %sub3A = arith.constant 1 : i32
    %sub3A_42 = vector.broadcast %sub3A : i32 to vector<1024x1xi32>
    %sub3A_43 = arith.subi %div3A_21, %sub3A_42 : vector<1024x1xi32>
    %select_n3A = arith.select %and3A, %sub3A_43, %div3A_21 : vector<1024x1xi1>, vector<1024x1xi32>
    %jit3A_44 = arith.constant 2 : i32
    %eq3A_45 = arith.constant 0 : i32
    %eq3A_46 = arith.cmpi eq, %jit3A_44, %eq3A_45 : i32
    %jit3A_47 = arith.constant 1 : i32
    %select_n3A_48 = arith.select %eq3A_46, %jit3A_47, %jit3A_44 : i32
    %rem3A_49 = vector.broadcast %select_n3A_48 : i32 to vector<1024x1xi32>
    %rem3A_50 = arith.remsi %get3A_4, %rem3A_49 : vector<1024x1xi32>
    %ne3A_51 = arith.constant 0 : i32
    %ne3A_52 = vector.broadcast %ne3A_51 : i32 to vector<1024x1xi32>
    %ne3A_53 = arith.cmpi ne, %rem3A_50, %ne3A_52 : vector<1024x1xi32>
    %lt3A = arith.constant 0 : i32
    %lt3A_54 = vector.broadcast %lt3A : i32 to vector<1024x1xi32>
    %lt3A_55 = arith.cmpi slt, %rem3A_50, %lt3A_54 : vector<1024x1xi32>
    %lt3A_56 = arith.constant 0 : i32
    %lt3A_57 = arith.cmpi slt, %select_n3A_48, %lt3A_56 : i32
    %ne3A_58 = vector.broadcast %lt3A_57 : i1 to vector<1024x1xi1>
    %ne3A_59 = vector.broadcast %ne3A_58 : vector<1024x1xi1> to vector<1024x1xi1>
    %ne3A_60 = arith.xori %lt3A_55, %ne3A_59 : vector<1024x1xi1>
    %and3A_61 = arith.andi %ne3A_60, %ne3A_53 : vector<1024x1xi1>
    %add3A = vector.broadcast %select_n3A_48 : i32 to vector<1024x1xi32>
    %add3A_62 = arith.addi %rem3A_50, %add3A : vector<1024x1xi32>
    %select_n3A_63 = arith.select %and3A_61, %add3A_62, %rem3A_50 : vector<1024x1xi1>, vector<1024x1xi32>
    %iota3A_64 = tpu.iota {dimensions = array<i32: 1>} : vector<1x128xi32>
    %jit3A_65 = arith.constant 64 : i32
    %div3A_66 = vector.broadcast %jit3A_65 : i32 to vector<1x128xi32>
    %div3A_67 = arith.divsi %iota3A_64, %div3A_66 : vector<1x128xi32>
    %sign3A_68 = arith.constant 0 : i32
    %sign3A_69 = vector.broadcast %sign3A_68 : i32 to vector<1x128xi32>
    %sign3A_70 = arith.cmpi sgt, %iota3A_64, %sign3A_69 : vector<1x128xi32>
    %sign3A_71 = arith.extui %sign3A_70 : vector<1x128xi1> to vector<1x128xi32>
    %sign3A_72 = arith.constant 0 : i32
    %sign3A_73 = vector.broadcast %sign3A_72 : i32 to vector<1x128xi32>
    %sign3A_74 = arith.cmpi slt, %iota3A_64, %sign3A_73 : vector<1x128xi32>
    %sign3A_75 = arith.extui %sign3A_74 : vector<1x128xi1> to vector<1x128xi32>
    %sign3A_76 = arith.subi %sign3A_71, %sign3A_75 : vector<1x128xi32>
    %sign3A_77 = arith.constant 0 : i32
    %sign3A_78 = arith.cmpi sgt, %jit3A_65, %sign3A_77 : i32
    %sign3A_79 = arith.extui %sign3A_78 : i1 to i32
    %sign3A_80 = arith.constant 0 : i32
    %sign3A_81 = arith.cmpi slt, %jit3A_65, %sign3A_80 : i32
    %sign3A_82 = arith.extui %sign3A_81 : i1 to i32
    %sign3A_83 = arith.subi %sign3A_79, %sign3A_82 : i32
    %ne3A_84 = vector.broadcast %sign3A_83 : i32 to vector<1x128xi32>
    %ne3A_85 = arith.cmpi ne, %sign3A_76, %ne3A_84 : vector<1x128xi32>
    %rem3A_86 = vector.broadcast %jit3A_65 : i32 to vector<1x128xi32>
    %rem3A_87 = arith.remsi %iota3A_64, %rem3A_86 : vector<1x128xi32>
    %ne3A_88 = arith.constant 0 : i32
    %ne3A_89 = vector.broadcast %ne3A_88 : i32 to vector<1x128xi32>
    %ne3A_90 = arith.cmpi ne, %rem3A_87, %ne3A_89 : vector<1x128xi32>
    %and3A_91 = arith.andi %ne3A_85, %ne3A_90 : vector<1x128xi1>
    %sub3A_92 = arith.constant 1 : i32
    %sub3A_93 = vector.broadcast %sub3A_92 : i32 to vector<1x128xi32>
    %sub3A_94 = arith.subi %div3A_67, %sub3A_93 : vector<1x128xi32>
    %select_n3A_95 = arith.select %and3A_91, %sub3A_94, %div3A_67 : vector<1x128xi1>, vector<1x128xi32>
    %broadcast_in_dim3A = arith.constant 0.000000e+00 : f32
    %broadcast_in_dim3A_96 = vector.broadcast %broadcast_in_dim3A : f32 to vector<1024x128xf32>
    %eq3A_97 = arith.constant 0 : i32
    %eq3A_98 = vector.broadcast %eq3A_97 : i32 to vector<1024x1xi32>
    %eq3A_99 = arith.cmpi eq, %select_n3A, %eq3A_98 : vector<1024x1xi32>
    %eq3A_100 = vector.broadcast %select_n3A_95 : vector<1x128xi32> to vector<1024x128xi32>
    %eq3A_101 = vector.broadcast %select_n3A_63 : vector<1024x1xi32> to vector<1024x128xi32>
    %eq3A_102 = arith.cmpi eq, %eq3A_100, %eq3A_101 : vector<1024x128xi32>
    %and3A_103 = vector.broadcast %eq3A_99 : vector<1024x1xi1> to vector<1024x128xi1>
    %and3A_104 = arith.andi %and3A_103, %eq3A_102 : vector<1024x128xi1>
    %convert_element_type3A_105 = arith.extui %and3A_104 : vector<1024x128xi1> to vector<1024x128xi32>
    %convert_element_type3A_106 = arith.sitofp %convert_element_type3A_105 : vector<1024x128xi32> to vector<1024x128xf32>
    %slice3A = vector.extract_strided_slice %dot_general3A_20 {offsets = [0, 0], sizes = [1024, 128], strides = [1, 1]} : vector<1024x2560xf32> to vector<1024x128xf32>
    %mul3A = arith.mulf %convert_element_type3A_106, %slice3A : vector<1024x128xf32>
    %add3A_107 = arith.addf %broadcast_in_dim3A_96, %mul3A : vector<1024x128xf32>
    %eq3A_108 = arith.constant 1 : i32
    %eq3A_109 = vector.broadcast %eq3A_108 : i32 to vector<1024x1xi32>
    %eq3A_110 = arith.cmpi eq, %select_n3A, %eq3A_109 : vector<1024x1xi32>
    %eq3A_111 = vector.broadcast %select_n3A_95 : vector<1x128xi32> to vector<1024x128xi32>
    %eq3A_112 = vector.broadcast %select_n3A_63 : vector<1024x1xi32> to vector<1024x128xi32>
    %eq3A_113 = arith.cmpi eq, %eq3A_111, %eq3A_112 : vector<1024x128xi32>
    %and3A_114 = vector.broadcast %eq3A_110 : vector<1024x1xi1> to vector<1024x128xi1>
    %and3A_115 = arith.andi %and3A_114, %eq3A_113 : vector<1024x128xi1>
    %convert_element_type3A_116 = arith.extui %and3A_115 : vector<1024x128xi1> to vector<1024x128xi32>
    %convert_element_type3A_117 = arith.sitofp %convert_element_type3A_116 : vector<1024x128xi32> to vector<1024x128xf32>
    %slice3A_118 = vector.extract_strided_slice %dot_general3A_20 {offsets = [0, 128], sizes = [1024, 128], strides = [1, 1]} : vector<1024x2560xf32> to vector<1024x128xf32>
    %mul3A_119 = arith.mulf %convert_element_type3A_117, %slice3A_118 : vector<1024x128xf32>
    %add3A_120 = arith.addf %add3A_107, %mul3A_119 : vector<1024x128xf32>
    %eq3A_121 = arith.constant 2 : i32
    %eq3A_122 = vector.broadcast %eq3A_121 : i32 to vector<1024x1xi32>
    %eq3A_123 = arith.cmpi eq, %select_n3A, %eq3A_122 : vector<1024x1xi32>
    %eq3A_124 = vector.broadcast %select_n3A_95 : vector<1x128xi32> to vector<1024x128xi32>
    %eq3A_125 = vector.broadcast %select_n3A_63 : vector<1024x1xi32> to vector<1024x128xi32>
    %eq3A_126 = arith.cmpi eq, %eq3A_124, %eq3A_125 : vector<1024x128xi32>
    %and3A_127 = vector.broadcast %eq3A_123 : vector<1024x1xi1> to vector<1024x128xi1>
    %and3A_128 = arith.andi %and3A_127, %eq3A_126 : vector<1024x128xi1>
    %convert_element_type3A_129 = arith.extui %and3A_128 : vector<1024x128xi1> to vector<1024x128xi32>
    %convert_element_type3A_130 = arith.sitofp %convert_element_type3A_129 : vector<1024x128xi32> to vector<1024x128xf32>
    %slice3A_131 = vector.extract_strided_slice %dot_general3A_20 {offsets = [0, 256], sizes = [1024, 128], strides = [1, 1]} : vector<1024x2560xf32> to vector<1024x128xf32>
    %mul3A_132 = arith.mulf %convert_element_type3A_130, %slice3A_131 : vector<1024x128xf32>
    %add3A_133 = arith.addf %add3A_120, %mul3A_132 : vector<1024x128xf32>
    %eq3A_134 = arith.constant 3 : i32
    %eq3A_135 = vector.broadcast %eq3A_134 : i32 to vector<1024x1xi32>
    %eq3A_136 = arith.cmpi eq, %select_n3A, %eq3A_135 : vector<1024x1xi32>
    %eq3A_137 = vector.broadcast %select_n3A_95 : vector<1x128xi32> to vector<1024x128xi32>
    %eq3A_138 = vector.broadcast %select_n3A_63 : vector<1024x1xi32> to vector<1024x128xi32>
    %eq3A_139 = arith.cmpi eq, %eq3A_137, %eq3A_138 : vector<1024x128xi32>
    %and3A_140 = vector.broadcast %eq3A_136 : vector<1024x1xi1> to vector<1024x128xi1>
    %and3A_141 = arith.andi %and3A_140, %eq3A_139 : vector<1024x128xi1>
    %convert_element_type3A_142 = arith.extui %and3A_141 : vector<1024x128xi1> to vector<1024x128xi32>
    %convert_element_type3A_143 = arith.sitofp %convert_element_type3A_142 : vector<1024x128xi32> to vector<1024x128xf32>
    %slice3A_144 = vector.extract_strided_slice %dot_general3A_20 {offsets = [0, 384], sizes = [1024, 128], strides = [1, 1]} : vector<1024x2560xf32> to vector<1024x128xf32>
    %mul3A_145 = arith.mulf %convert_element_type3A_143, %slice3A_144 : vector<1024x128xf32>
    %add3A_146 = arith.addf %add3A_133, %mul3A_145 : vector<1024x128xf32>
    %eq3A_147 = arith.constant 4 : i32
    %eq3A_148 = vector.broadcast %eq3A_147 : i32 to vector<1024x1xi32>
    %eq3A_149 = arith.cmpi eq, %select_n3A, %eq3A_148 : vector<1024x1xi32>
    %eq3A_150 = vector.broadcast %select_n3A_95 : vector<1x128xi32> to vector<1024x128xi32>
    %eq3A_151 = vector.broadcast %select_n3A_63 : vector<1024x1xi32> to vector<1024x128xi32>
    %eq3A_152 = arith.cmpi eq, %eq3A_150, %eq3A_151 : vector<1024x128xi32>
    %and3A_153 = vector.broadcast %eq3A_149 : vector<1024x1xi1> to vector<1024x128xi1>
    %and3A_154 = arith.andi %and3A_153, %eq3A_152 : vector<1024x128xi1>
    %convert_element_type3A_155 = arith.extui %and3A_154 : vector<1024x128xi1> to vector<1024x128xi32>
    %convert_element_type3A_156 = arith.sitofp %convert_element_type3A_155 : vector<1024x128xi32> to vector<1024x128xf32>
    %slice3A_157 = vector.extract_strided_slice %dot_general3A_20 {offsets = [0, 512], sizes = [1024, 128], strides = [1, 1]} : vector<1024x2560xf32> to vector<1024x128xf32>
    %mul3A_158 = arith.mulf %convert_element_type3A_156, %slice3A_157 : vector<1024x128xf32>
    %add3A_159 = arith.addf %add3A_146, %mul3A_158 : vector<1024x128xf32>
    %eq3A_160 = arith.constant 5 : i32
    %eq3A_161 = vector.broadcast %eq3A_160 : i32 to vector<1024x1xi32>
    %eq3A_162 = arith.cmpi eq, %select_n3A, %eq3A_161 : vector<1024x1xi32>
    %eq3A_163 = vector.broadcast %select_n3A_95 : vector<1x128xi32> to vector<1024x128xi32>
    %eq3A_164 = vector.broadcast %select_n3A_63 : vector<1024x1xi32> to vector<1024x128xi32>
    %eq3A_165 = arith.cmpi eq, %eq3A_163, %eq3A_164 : vector<1024x128xi32>
    %and3A_166 = vector.broadcast %eq3A_162 : vector<1024x1xi1> to vector<1024x128xi1>
    %and3A_167 = arith.andi %and3A_166, %eq3A_165 : vector<1024x128xi1>
    %convert_element_type3A_168 = arith.extui %and3A_167 : vector<1024x128xi1> to vector<1024x128xi32>
    %convert_element_type3A_169 = arith.sitofp %convert_element_type3A_168 : vector<1024x128xi32> to vector<1024x128xf32>
    %slice3A_170 = vector.extract_strided_slice %dot_general3A_20 {offsets = [0, 640], sizes = [1024, 128], strides = [1, 1]} : vector<1024x2560xf32> to vector<1024x128xf32>
    %mul3A_171 = arith.mulf %convert_element_type3A_169, %slice3A_170 : vector<1024x128xf32>
    %add3A_172 = arith.addf %add3A_159, %mul3A_171 : vector<1024x128xf32>
    %eq3A_173 = arith.constant 6 : i32
    %eq3A_174 = vector.broadcast %eq3A_173 : i32 to vector<1024x1xi32>
    %eq3A_175 = arith.cmpi eq, %select_n3A, %eq3A_174 : vector<1024x1xi32>
    %eq3A_176 = vector.broadcast %select_n3A_95 : vector<1x128xi32> to vector<1024x128xi32>
    %eq3A_177 = vector.broadcast %select_n3A_63 : vector<1024x1xi32> to vector<1024x128xi32>
    %eq3A_178 = arith.cmpi eq, %eq3A_176, %eq3A_177 : vector<1024x128xi32>
    %and3A_179 = vector.broadcast %eq3A_175 : vector<1024x1xi1> to vector<1024x128xi1>
    %and3A_180 = arith.andi %and3A_179, %eq3A_178 : vector<1024x128xi1>
    %convert_element_type3A_181 = arith.extui %and3A_180 : vector<1024x128xi1> to vector<1024x128xi32>
    %convert_element_type3A_182 = arith.sitofp %convert_element_type3A_181 : vector<1024x128xi32> to vector<1024x128xf32>
    %slice3A_183 = vector.extract_strided_slice %dot_general3A_20 {offsets = [0, 768], sizes = [1024, 128], strides = [1, 1]} : vector<1024x2560xf32> to vector<1024x128xf32>
    %mul3A_184 = arith.mulf %convert_element_type3A_182, %slice3A_183 : vector<1024x128xf32>
    %add3A_185 = arith.addf %add3A_172, %mul3A_184 : vector<1024x128xf32>
    %eq3A_186 = arith.constant 7 : i32
    %eq3A_187 = vector.broadcast %eq3A_186 : i32 to vector<1024x1xi32>
    %eq3A_188 = arith.cmpi eq, %select_n3A, %eq3A_187 : vector<1024x1xi32>
    %eq3A_189 = vector.broadcast %select_n3A_95 : vector<1x128xi32> to vector<1024x128xi32>
    %eq3A_190 = vector.broadcast %select_n3A_63 : vector<1024x1xi32> to vector<1024x128xi32>
    %eq3A_191 = arith.cmpi eq, %eq3A_189, %eq3A_190 : vector<1024x128xi32>
    %and3A_192 = vector.broadcast %eq3A_188 : vector<1024x1xi1> to vector<1024x128xi1>
    %and3A_193 = arith.andi %and3A_192, %eq3A_191 : vector<1024x128xi1>
    %convert_element_type3A_194 = arith.extui %and3A_193 : vector<1024x128xi1> to vector<1024x128xi32>
    %convert_element_type3A_195 = arith.sitofp %convert_element_type3A_194 : vector<1024x128xi32> to vector<1024x128xf32>
    %slice3A_196 = vector.extract_strided_slice %dot_general3A_20 {offsets = [0, 896], sizes = [1024, 128], strides = [1, 1]} : vector<1024x2560xf32> to vector<1024x128xf32>
    %mul3A_197 = arith.mulf %convert_element_type3A_195, %slice3A_196 : vector<1024x128xf32>
    %add3A_198 = arith.addf %add3A_185, %mul3A_197 : vector<1024x128xf32>
    %eq3A_199 = arith.constant 8 : i32
    %eq3A_200 = vector.broadcast %eq3A_199 : i32 to vector<1024x1xi32>
    %eq3A_201 = arith.cmpi eq, %select_n3A, %eq3A_200 : vector<1024x1xi32>
    %eq3A_202 = vector.broadcast %select_n3A_95 : vector<1x128xi32> to vector<1024x128xi32>
    %eq3A_203 = vector.broadcast %select_n3A_63 : vector<1024x1xi32> to vector<1024x128xi32>
    %eq3A_204 = arith.cmpi eq, %eq3A_202, %eq3A_203 : vector<1024x128xi32>
    %and3A_205 = vector.broadcast %eq3A_201 : vector<1024x1xi1> to vector<1024x128xi1>
    %and3A_206 = arith.andi %and3A_205, %eq3A_204 : vector<1024x128xi1>
    %convert_element_type3A_207 = arith.extui %and3A_206 : vector<1024x128xi1> to vector<1024x128xi32>
    %convert_element_type3A_208 = arith.sitofp %convert_element_type3A_207 : vector<1024x128xi32> to vector<1024x128xf32>
    %slice3A_209 = vector.extract_strided_slice %dot_general3A_20 {offsets = [0, 1024], sizes = [1024, 128], strides = [1, 1]} : vector<1024x2560xf32> to vector<1024x128xf32>
    %mul3A_210 = arith.mulf %convert_element_type3A_208, %slice3A_209 : vector<1024x128xf32>
    %add3A_211 = arith.addf %add3A_198, %mul3A_210 : vector<1024x128xf32>
    %eq3A_212 = arith.constant 9 : i32
    %eq3A_213 = vector.broadcast %eq3A_212 : i32 to vector<1024x1xi32>
    %eq3A_214 = arith.cmpi eq, %select_n3A, %eq3A_213 : vector<1024x1xi32>
    %eq3A_215 = vector.broadcast %select_n3A_95 : vector<1x128xi32> to vector<1024x128xi32>
    %eq3A_216 = vector.broadcast %select_n3A_63 : vector<1024x1xi32> to vector<1024x128xi32>
    %eq3A_217 = arith.cmpi eq, %eq3A_215, %eq3A_216 : vector<1024x128xi32>
    %and3A_218 = vector.broadcast %eq3A_214 : vector<1024x1xi1> to vector<1024x128xi1>
    %and3A_219 = arith.andi %and3A_218, %eq3A_217 : vector<1024x128xi1>
    %convert_element_type3A_220 = arith.extui %and3A_219 : vector<1024x128xi1> to vector<1024x128xi32>
    %convert_element_type3A_221 = arith.sitofp %convert_element_type3A_220 : vector<1024x128xi32> to vector<1024x128xf32>
    %slice3A_222 = vector.extract_strided_slice %dot_general3A_20 {offsets = [0, 1152], sizes = [1024, 128], strides = [1, 1]} : vector<1024x2560xf32> to vector<1024x128xf32>
    %mul3A_223 = arith.mulf %convert_element_type3A_221, %slice3A_222 : vector<1024x128xf32>
    %add3A_224 = arith.addf %add3A_211, %mul3A_223 : vector<1024x128xf32>
    %eq3A_225 = arith.constant 10 : i32
    %eq3A_226 = vector.broadcast %eq3A_225 : i32 to vector<1024x1xi32>
    %eq3A_227 = arith.cmpi eq, %select_n3A, %eq3A_226 : vector<1024x1xi32>
    %eq3A_228 = vector.broadcast %select_n3A_95 : vector<1x128xi32> to vector<1024x128xi32>
    %eq3A_229 = vector.broadcast %select_n3A_63 : vector<1024x1xi32> to vector<1024x128xi32>
    %eq3A_230 = arith.cmpi eq, %eq3A_228, %eq3A_229 : vector<1024x128xi32>
    %and3A_231 = vector.broadcast %eq3A_227 : vector<1024x1xi1> to vector<1024x128xi1>
    %and3A_232 = arith.andi %and3A_231, %eq3A_230 : vector<1024x128xi1>
    %convert_element_type3A_233 = arith.extui %and3A_232 : vector<1024x128xi1> to vector<1024x128xi32>
    %convert_element_type3A_234 = arith.sitofp %convert_element_type3A_233 : vector<1024x128xi32> to vector<1024x128xf32>
    %slice3A_235 = vector.extract_strided_slice %dot_general3A_20 {offsets = [0, 1280], sizes = [1024, 128], strides = [1, 1]} : vector<1024x2560xf32> to vector<1024x128xf32>
    %mul3A_236 = arith.mulf %convert_element_type3A_234, %slice3A_235 : vector<1024x128xf32>
    %add3A_237 = arith.addf %add3A_224, %mul3A_236 : vector<1024x128xf32>
    %eq3A_238 = arith.constant 11 : i32
    %eq3A_239 = vector.broadcast %eq3A_238 : i32 to vector<1024x1xi32>
    %eq3A_240 = arith.cmpi eq, %select_n3A, %eq3A_239 : vector<1024x1xi32>
    %eq3A_241 = vector.broadcast %select_n3A_95 : vector<1x128xi32> to vector<1024x128xi32>
    %eq3A_242 = vector.broadcast %select_n3A_63 : vector<1024x1xi32> to vector<1024x128xi32>
    %eq3A_243 = arith.cmpi eq, %eq3A_241, %eq3A_242 : vector<1024x128xi32>
    %and3A_244 = vector.broadcast %eq3A_240 : vector<1024x1xi1> to vector<1024x128xi1>
    %and3A_245 = arith.andi %and3A_244, %eq3A_243 : vector<1024x128xi1>
    %convert_element_type3A_246 = arith.extui %and3A_245 : vector<1024x128xi1> to vector<1024x128xi32>
    %convert_element_type3A_247 = arith.sitofp %convert_element_type3A_246 : vector<1024x128xi32> to vector<1024x128xf32>
    %slice3A_248 = vector.extract_strided_slice %dot_general3A_20 {offsets = [0, 1408], sizes = [1024, 128], strides = [1, 1]} : vector<1024x2560xf32> to vector<1024x128xf32>
    %mul3A_249 = arith.mulf %convert_element_type3A_247, %slice3A_248 : vector<1024x128xf32>
    %add3A_250 = arith.addf %add3A_237, %mul3A_249 : vector<1024x128xf32>
    %eq3A_251 = arith.constant 12 : i32
    %eq3A_252 = vector.broadcast %eq3A_251 : i32 to vector<1024x1xi32>
    %eq3A_253 = arith.cmpi eq, %select_n3A, %eq3A_252 : vector<1024x1xi32>
    %eq3A_254 = vector.broadcast %select_n3A_95 : vector<1x128xi32> to vector<1024x128xi32>
    %eq3A_255 = vector.broadcast %select_n3A_63 : vector<1024x1xi32> to vector<1024x128xi32>
    %eq3A_256 = arith.cmpi eq, %eq3A_254, %eq3A_255 : vector<1024x128xi32>
    %and3A_257 = vector.broadcast %eq3A_253 : vector<1024x1xi1> to vector<1024x128xi1>
    %and3A_258 = arith.andi %and3A_257, %eq3A_256 : vector<1024x128xi1>
    %convert_element_type3A_259 = arith.extui %and3A_258 : vector<1024x128xi1> to vector<1024x128xi32>
    %convert_element_type3A_260 = arith.sitofp %convert_element_type3A_259 : vector<1024x128xi32> to vector<1024x128xf32>
    %slice3A_261 = vector.extract_strided_slice %dot_general3A_20 {offsets = [0, 1536], sizes = [1024, 128], strides = [1, 1]} : vector<1024x2560xf32> to vector<1024x128xf32>
    %mul3A_262 = arith.mulf %convert_element_type3A_260, %slice3A_261 : vector<1024x128xf32>
    %add3A_263 = arith.addf %add3A_250, %mul3A_262 : vector<1024x128xf32>
    %eq3A_264 = arith.constant 13 : i32
    %eq3A_265 = vector.broadcast %eq3A_264 : i32 to vector<1024x1xi32>
    %eq3A_266 = arith.cmpi eq, %select_n3A, %eq3A_265 : vector<1024x1xi32>
    %eq3A_267 = vector.broadcast %select_n3A_95 : vector<1x128xi32> to vector<1024x128xi32>
    %eq3A_268 = vector.broadcast %select_n3A_63 : vector<1024x1xi32> to vector<1024x128xi32>
    %eq3A_269 = arith.cmpi eq, %eq3A_267, %eq3A_268 : vector<1024x128xi32>
    %and3A_270 = vector.broadcast %eq3A_266 : vector<1024x1xi1> to vector<1024x128xi1>
    %and3A_271 = arith.andi %and3A_270, %eq3A_269 : vector<1024x128xi1>
    %convert_element_type3A_272 = arith.extui %and3A_271 : vector<1024x128xi1> to vector<1024x128xi32>
    %convert_element_type3A_273 = arith.sitofp %convert_element_type3A_272 : vector<1024x128xi32> to vector<1024x128xf32>
    %slice3A_274 = vector.extract_strided_slice %dot_general3A_20 {offsets = [0, 1664], sizes = [1024, 128], strides = [1, 1]} : vector<1024x2560xf32> to vector<1024x128xf32>
    %mul3A_275 = arith.mulf %convert_element_type3A_273, %slice3A_274 : vector<1024x128xf32>
    %add3A_276 = arith.addf %add3A_263, %mul3A_275 : vector<1024x128xf32>
    %eq3A_277 = arith.constant 14 : i32
    %eq3A_278 = vector.broadcast %eq3A_277 : i32 to vector<1024x1xi32>
    %eq3A_279 = arith.cmpi eq, %select_n3A, %eq3A_278 : vector<1024x1xi32>
    %eq3A_280 = vector.broadcast %select_n3A_95 : vector<1x128xi32> to vector<1024x128xi32>
    %eq3A_281 = vector.broadcast %select_n3A_63 : vector<1024x1xi32> to vector<1024x128xi32>
    %eq3A_282 = arith.cmpi eq, %eq3A_280, %eq3A_281 : vector<1024x128xi32>
    %and3A_283 = vector.broadcast %eq3A_279 : vector<1024x1xi1> to vector<1024x128xi1>
    %and3A_284 = arith.andi %and3A_283, %eq3A_282 : vector<1024x128xi1>
    %convert_element_type3A_285 = arith.extui %and3A_284 : vector<1024x128xi1> to vector<1024x128xi32>
    %convert_element_type3A_286 = arith.sitofp %convert_element_type3A_285 : vector<1024x128xi32> to vector<1024x128xf32>
    %slice3A_287 = vector.extract_strided_slice %dot_general3A_20 {offsets = [0, 1792], sizes = [1024, 128], strides = [1, 1]} : vector<1024x2560xf32> to vector<1024x128xf32>
    %mul3A_288 = arith.mulf %convert_element_type3A_286, %slice3A_287 : vector<1024x128xf32>
    %add3A_289 = arith.addf %add3A_276, %mul3A_288 : vector<1024x128xf32>
    %eq3A_290 = arith.constant 15 : i32
    %eq3A_291 = vector.broadcast %eq3A_290 : i32 to vector<1024x1xi32>
    %eq3A_292 = arith.cmpi eq, %select_n3A, %eq3A_291 : vector<1024x1xi32>
    %eq3A_293 = vector.broadcast %select_n3A_95 : vector<1x128xi32> to vector<1024x128xi32>
    %eq3A_294 = vector.broadcast %select_n3A_63 : vector<1024x1xi32> to vector<1024x128xi32>
    %eq3A_295 = arith.cmpi eq, %eq3A_293, %eq3A_294 : vector<1024x128xi32>
    %and3A_296 = vector.broadcast %eq3A_292 : vector<1024x1xi1> to vector<1024x128xi1>
    %and3A_297 = arith.andi %and3A_296, %eq3A_295 : vector<1024x128xi1>
    %convert_element_type3A_298 = arith.extui %and3A_297 : vector<1024x128xi1> to vector<1024x128xi32>
    %convert_element_type3A_299 = arith.sitofp %convert_element_type3A_298 : vector<1024x128xi32> to vector<1024x128xf32>
    %slice3A_300 = vector.extract_strided_slice %dot_general3A_20 {offsets = [0, 1920], sizes = [1024, 128], strides = [1, 1]} : vector<1024x2560xf32> to vector<1024x128xf32>
    %mul3A_301 = arith.mulf %convert_element_type3A_299, %slice3A_300 : vector<1024x128xf32>
    %add3A_302 = arith.addf %add3A_289, %mul3A_301 : vector<1024x128xf32>
    %eq3A_303 = arith.constant 16 : i32
    %eq3A_304 = vector.broadcast %eq3A_303 : i32 to vector<1024x1xi32>
    %eq3A_305 = arith.cmpi eq, %select_n3A, %eq3A_304 : vector<1024x1xi32>
    %eq3A_306 = vector.broadcast %select_n3A_95 : vector<1x128xi32> to vector<1024x128xi32>
    %eq3A_307 = vector.broadcast %select_n3A_63 : vector<1024x1xi32> to vector<1024x128xi32>
    %eq3A_308 = arith.cmpi eq, %eq3A_306, %eq3A_307 : vector<1024x128xi32>
    %and3A_309 = vector.broadcast %eq3A_305 : vector<1024x1xi1> to vector<1024x128xi1>
    %and3A_310 = arith.andi %and3A_309, %eq3A_308 : vector<1024x128xi1>
    %convert_element_type3A_311 = arith.extui %and3A_310 : vector<1024x128xi1> to vector<1024x128xi32>
    %convert_element_type3A_312 = arith.sitofp %convert_element_type3A_311 : vector<1024x128xi32> to vector<1024x128xf32>
    %slice3A_313 = vector.extract_strided_slice %dot_general3A_20 {offsets = [0, 2048], sizes = [1024, 128], strides = [1, 1]} : vector<1024x2560xf32> to vector<1024x128xf32>
    %mul3A_314 = arith.mulf %convert_element_type3A_312, %slice3A_313 : vector<1024x128xf32>
    %add3A_315 = arith.addf %add3A_302, %mul3A_314 : vector<1024x128xf32>
    %eq3A_316 = arith.constant 17 : i32
    %eq3A_317 = vector.broadcast %eq3A_316 : i32 to vector<1024x1xi32>
    %eq3A_318 = arith.cmpi eq, %select_n3A, %eq3A_317 : vector<1024x1xi32>
    %eq3A_319 = vector.broadcast %select_n3A_95 : vector<1x128xi32> to vector<1024x128xi32>
    %eq3A_320 = vector.broadcast %select_n3A_63 : vector<1024x1xi32> to vector<1024x128xi32>
    %eq3A_321 = arith.cmpi eq, %eq3A_319, %eq3A_320 : vector<1024x128xi32>
    %and3A_322 = vector.broadcast %eq3A_318 : vector<1024x1xi1> to vector<1024x128xi1>
    %and3A_323 = arith.andi %and3A_322, %eq3A_321 : vector<1024x128xi1>
    %convert_element_type3A_324 = arith.extui %and3A_323 : vector<1024x128xi1> to vector<1024x128xi32>
    %convert_element_type3A_325 = arith.sitofp %convert_element_type3A_324 : vector<1024x128xi32> to vector<1024x128xf32>
    %slice3A_326 = vector.extract_strided_slice %dot_general3A_20 {offsets = [0, 2176], sizes = [1024, 128], strides = [1, 1]} : vector<1024x2560xf32> to vector<1024x128xf32>
    %mul3A_327 = arith.mulf %convert_element_type3A_325, %slice3A_326 : vector<1024x128xf32>
    %add3A_328 = arith.addf %add3A_315, %mul3A_327 : vector<1024x128xf32>
    %eq3A_329 = arith.constant 18 : i32
    %eq3A_330 = vector.broadcast %eq3A_329 : i32 to vector<1024x1xi32>
    %eq3A_331 = arith.cmpi eq, %select_n3A, %eq3A_330 : vector<1024x1xi32>
    %eq3A_332 = vector.broadcast %select_n3A_95 : vector<1x128xi32> to vector<1024x128xi32>
    %eq3A_333 = vector.broadcast %select_n3A_63 : vector<1024x1xi32> to vector<1024x128xi32>
    %eq3A_334 = arith.cmpi eq, %eq3A_332, %eq3A_333 : vector<1024x128xi32>
    %and3A_335 = vector.broadcast %eq3A_331 : vector<1024x1xi1> to vector<1024x128xi1>
    %and3A_336 = arith.andi %and3A_335, %eq3A_334 : vector<1024x128xi1>
    %convert_element_type3A_337 = arith.extui %and3A_336 : vector<1024x128xi1> to vector<1024x128xi32>
    %convert_element_type3A_338 = arith.sitofp %convert_element_type3A_337 : vector<1024x128xi32> to vector<1024x128xf32>
    %slice3A_339 = vector.extract_strided_slice %dot_general3A_20 {offsets = [0, 2304], sizes = [1024, 128], strides = [1, 1]} : vector<1024x2560xf32> to vector<1024x128xf32>
    %mul3A_340 = arith.mulf %convert_element_type3A_338, %slice3A_339 : vector<1024x128xf32>
    %add3A_341 = arith.addf %add3A_328, %mul3A_340 : vector<1024x128xf32>
    %eq3A_342 = arith.constant 19 : i32
    %eq3A_343 = vector.broadcast %eq3A_342 : i32 to vector<1024x1xi32>
    %eq3A_344 = arith.cmpi eq, %select_n3A, %eq3A_343 : vector<1024x1xi32>
    %eq3A_345 = vector.broadcast %select_n3A_95 : vector<1x128xi32> to vector<1024x128xi32>
    %eq3A_346 = vector.broadcast %select_n3A_63 : vector<1024x1xi32> to vector<1024x128xi32>
    %eq3A_347 = arith.cmpi eq, %eq3A_345, %eq3A_346 : vector<1024x128xi32>
    %and3A_348 = vector.broadcast %eq3A_344 : vector<1024x1xi1> to vector<1024x128xi1>
    %and3A_349 = arith.andi %and3A_348, %eq3A_347 : vector<1024x128xi1>
    %convert_element_type3A_350 = arith.extui %and3A_349 : vector<1024x128xi1> to vector<1024x128xi32>
    %convert_element_type3A_351 = arith.sitofp %convert_element_type3A_350 : vector<1024x128xi32> to vector<1024x128xf32>
    %slice3A_352 = vector.extract_strided_slice %dot_general3A_20 {offsets = [0, 2432], sizes = [1024, 128], strides = [1, 1]} : vector<1024x2560xf32> to vector<1024x128xf32>
    %mul3A_353 = arith.mulf %convert_element_type3A_351, %slice3A_352 : vector<1024x128xf32>
    %add3A_354 = arith.addf %add3A_341, %mul3A_353 : vector<1024x128xf32>
    %slice3A_355 = vector.extract_strided_slice %add3A_354 {offsets = [0, 0], sizes = [1024, 64], strides = [1, 1]} : vector<1024x128xf32> to vector<1024x64xf32>
    %add3A_356 = arith.addf %dot_general3A_13, %slice3A_355 : vector<1024x64xf32>
    %slice3A_357 = vector.extract_strided_slice %add3A_354 {offsets = [0, 64], sizes = [1024, 64], strides = [1, 1]} : vector<1024x128xf32> to vector<1024x64xf32>
    %add3A_358 = arith.addf %add3A_356, %slice3A_357 : vector<1024x64xf32>
    %swap3A = arith.constant 0 : index
    %swap3A_359 = arith.constant 0 : index
    %swap3A_360 = vector.load %arg8[%swap3A, %swap3A_359] : memref<1024x64xf32, #tpu.memory_space<vmem>>, vector<1024x64xf32>
    tpu.vector_store %arg8[%swap3A, %swap3A_359], %add3A_358 {strides = array<i32>} : memref<1024x64xf32, #tpu.memory_space<vmem>>, vector<1024x64xf32>,
    %lt3A_361 = arith.constant 20 : i32
    %lt3A_362 = arith.cmpi slt, %arg0, %lt3A_361 : i32
    %convert_element_type3A_363 = arith.extui %lt3A_362 : i1 to i32
    %cond3A = arith.constant 0 : i32
    %cond3A_364 = arith.cmpi ne, %convert_element_type3A_363, %cond3A : i32
    scf.if %cond3A_364 {
      %get3A_365 = arith.constant 0 : index
      %get3A_366 = arith.constant 0 : index
      %get3A_367 = vector.load %arg3[%get3A_365, %get3A_366] : memref<1024x64xf32, #tpu.memory_space<vmem>>, vector<1024x64xf32>
      %get3A_368 = arith.constant 0 : index
      %get3A_369 = arith.constant 0 : index
      %get3A_370 = vector.load %arg6[%get3A_368, %get3A_369] : memref<64x64xf32, #tpu.memory_space<vmem>>, vector<64x64xf32>
      %dot_general3A_371 = arith.constant dense<0.000000e+00> : vector<1024x64xf32>
      %dot_general3A_372 = tpu.matmul %get3A_367, %get3A_370, %dot_general3A_371 {dimension_numbers = #tpu.dot_dimension_numbers<[1], [0], [0], [1], [0, 0, 1, 1], [], []>, transpose_lhs_hint = false} : vector<1024x64xf32>, vector<64x64xf32>, vector<1024x64xf32> -> vector<1024x64xf32>
      %get3A_373 = arith.constant 0 : index
      %get3A_374 = arith.constant 0 : index
      %get3A_375 = vector.load %arg7[%get3A_373, %get3A_374] : memref<1x64xf32, #tpu.memory_space<vmem>>, vector<1x64xf32>
      %add3A_376 = vector.broadcast %get3A_375 : vector<1x64xf32> to vector<1024x64xf32>
      %add3A_377 = arith.addf %dot_general3A_372, %add3A_376 : vector<1024x64xf32>
      %swap3A_378 = arith.constant 0 : index
      %swap3A_379 = arith.constant 0 : index
      %swap3A_380 = vector.load %arg9[%swap3A_378, %swap3A_379] : memref<1024x64xf32, #tpu.memory_space<vmem>>, vector<1024x64xf32>
      tpu.vector_store %arg9[%swap3A_378, %swap3A_379], %add3A_377 {strides = array<i32>} : memref<1024x64xf32, #tpu.memory_space<vmem>>, vector<1024x64xf32>,
    } else {
    }
    return
  }
  func.func @transform_0(%arg0: i32) -> (i32, i32) {
    %c0_i32 = arith.constant 0 : i32
    %c0_i32_0 = arith.constant 0 : i32
    return %arg0, %c0_i32 : i32, i32
  }
  func.func @transform_1(%arg0: i32) -> (i32, i32) {
    %c0_i32 = arith.constant 0 : i32
    %c0_i32_0 = arith.constant 0 : i32
    return %arg0, %c0_i32 : i32, i32
  }
  func.func @transform_2(%arg0: i32) -> (i32, i32) {
    %min3A = arith.constant 19 : i32
    %min3A_0 = arith.minsi %arg0, %min3A : i32
    %c0_i32 = arith.constant 0 : i32
    %c0_i32_1 = arith.constant 0 : i32
    return %min3A_0, %c0_i32 : i32, i32
  }
  func.func @transform_3(%arg0: i32) -> (i32, i32, i32) {
    %jit3A = arith.constant 20 : i32
    %div3A = arith.divsi %arg0, %jit3A : i32
    %sign3A = arith.constant 0 : i32
    %sign3A_0 = arith.cmpi sgt, %arg0, %sign3A : i32
    %sign3A_1 = arith.extui %sign3A_0 : i1 to i32
    %sign3A_2 = arith.constant 0 : i32
    %sign3A_3 = arith.cmpi slt, %arg0, %sign3A_2 : i32
    %sign3A_4 = arith.extui %sign3A_3 : i1 to i32
    %sign3A_5 = arith.subi %sign3A_1, %sign3A_4 : i32
    %sign3A_6 = arith.constant 0 : i32
    %sign3A_7 = arith.cmpi sgt, %jit3A, %sign3A_6 : i32
    %sign3A_8 = arith.extui %sign3A_7 : i1 to i32
    %sign3A_9 = arith.constant 0 : i32
    %sign3A_10 = arith.cmpi slt, %jit3A, %sign3A_9 : i32
    %sign3A_11 = arith.extui %sign3A_10 : i1 to i32
    %sign3A_12 = arith.subi %sign3A_8, %sign3A_11 : i32
    %ne3A = arith.cmpi ne, %sign3A_5, %sign3A_12 : i32
    %rem3A = arith.remsi %arg0, %jit3A : i32
    %ne3A_13 = arith.constant 0 : i32
    %ne3A_14 = arith.cmpi ne, %rem3A, %ne3A_13 : i32
    %and3A = arith.andi %ne3A, %ne3A_14 : i1
    %sub3A = arith.constant 1 : i32
    %sub3A_15 = arith.subi %div3A, %sub3A : i32
    %select_n3A = arith.select %and3A, %sub3A_15, %div3A : i32
    %c0_i32 = arith.constant 0 : i32
    %c0_i32_16 = arith.constant 0 : i32
    %c0_i32_17 = arith.constant 0 : i32
    return %select_n3A, %c0_i32, %c0_i32_16 : i32, i32, i32
  }
  func.func @transform_4(%arg0: i32) -> (i32, i32, i32) {
    %jit3A = arith.constant 20 : i32
    %div3A = arith.divsi %arg0, %jit3A : i32
    %sign3A = arith.constant 0 : i32
    %sign3A_0 = arith.cmpi sgt, %arg0, %sign3A : i32
    %sign3A_1 = arith.extui %sign3A_0 : i1 to i32
    %sign3A_2 = arith.constant 0 : i32
    %sign3A_3 = arith.cmpi slt, %arg0, %sign3A_2 : i32
    %sign3A_4 = arith.extui %sign3A_3 : i1 to i32
    %sign3A_5 = arith.subi %sign3A_1, %sign3A_4 : i32
    %sign3A_6 = arith.constant 0 : i32
    %sign3A_7 = arith.cmpi sgt, %jit3A, %sign3A_6 : i32
    %sign3A_8 = arith.extui %sign3A_7 : i1 to i32
    %sign3A_9 = arith.constant 0 : i32
    %sign3A_10 = arith.cmpi slt, %jit3A, %sign3A_9 : i32
    %sign3A_11 = arith.extui %sign3A_10 : i1 to i32
    %sign3A_12 = arith.subi %sign3A_8, %sign3A_11 : i32
    %ne3A = arith.cmpi ne, %sign3A_5, %sign3A_12 : i32
    %rem3A = arith.remsi %arg0, %jit3A : i32
    %ne3A_13 = arith.constant 0 : i32
    %ne3A_14 = arith.cmpi ne, %rem3A, %ne3A_13 : i32
    %and3A = arith.andi %ne3A, %ne3A_14 : i1
    %sub3A = arith.constant 1 : i32
    %sub3A_15 = arith.subi %div3A, %sub3A : i32
    %select_n3A = arith.select %and3A, %sub3A_15, %div3A : i32
    %c0_i32 = arith.constant 0 : i32
    %c0_i32_16 = arith.constant 0 : i32
    %c0_i32_17 = arith.constant 0 : i32
    return %select_n3A, %c0_i32, %c0_i32_16 : i32, i32, i32
  }
  func.func @transform_5(%arg0: i32) -> (i32, i32) {
    %c0_i32 = arith.constant 0 : i32
    %c0_i32_0 = arith.constant 0 : i32
    %c0_i32_1 = arith.constant 0 : i32
    return %c0_i32, %c0_i32_0 : i32, i32
  }
  func.func @transform_6(%arg0: i32) -> (i32, i32) {
    %c0_i32 = arith.constant 0 : i32
    %c0_i32_0 = arith.constant 0 : i32
    %c0_i32_1 = arith.constant 0 : i32
    return %c0_i32, %c0_i32_0 : i32, i32
  }
  func.func @transform_7(%arg0: i32) -> (i32, i32) {
    %c0_i32 = arith.constant 0 : i32
    %c0_i32_0 = arith.constant 0 : i32
    return %arg0, %c0_i32 : i32, i32
  }
  func.func @transform_8(%arg0: i32) -> (i32, i32) {
    %min3A = arith.constant 19 : i32
    %min3A_0 = arith.minsi %arg0, %min3A : i32
    %c0_i32 = arith.constant 0 : i32
    %c0_i32_1 = arith.constant 0 : i32
    return %min3A_0, %c0_i32 : i32, i32
  }
}

</mosaic_0001>

<sc_bundles>
// kernel: kernel.5.cloned.1.call-start
scs
__scs_entry_jumppad:
0x0: {  	(pc) =	sbr.rel $0x88, $3  }
0x1: {  	(tag) =	ssettag $0x0;
	lr =	simm.s32 $0x1  }
0x2: {  	[smem:$0x3F9B] =	sst lr;
	_ =	strace $0xD0000000  }
0x3: {  	_ = 	snop  }
0x4: {  	_ = 	snop  }
0x5: {  	_ = 	snop  }
0x6: {  	_ = 	snop  }
0x7: {  	_ = 	snop  }
__scs_overlays_trampoline_lowered:
0x8: {  	[smem:$0x3FAA] =	sst s0  }
0x9: {  	[smem:$0x3FAB] =	sst s1  }
0xa: {  	[smem:$0x3FAC] =	sst s2  }
0xb: {  	[smem:$0x3FAD] =	sst s3  }
0xc: {  	[smem:$0x3FAE] =	sst s4  }
0xd: {  	[smem:$0x3FAF] =	sst s5  }
0xe: {  	[smem:$0x3FB0] =	sst s6  }
0xf: {  	[smem:$0x3FB1] =	sst s7  }
0x10: {  	[smem:$0x3FB2] =	sst s8  }
0x11: {  	[smem:$0x3FB3] =	sst s9;
	s0 =	simm.s32 @!p0 $0x0  }
0x12: {  	s1 =	sld [smem:$0x3F99];
	s0 =	simm.s32 @p0 $0x1  }
0x13: {  	[smem:$0x3FB4] =	sst s0;
	s0 =	simm.s32 @!p1 $0x0  }
0x14: {  	s2 =	sld [smem:$0x3F98];
	s0 =	simm.s32 @p1 $0x1  }
0x15: {  	[smem:$0x3FB5] =	sst s0;
	s0 =	simm.s32 @!p2 $0x0  }
0x16: {  	s3 =	sld [smem:$0x3FDB];
	s0 =	simm.s32 @p2 $0x1  }
0x17: {  	s4 =	simm.s32 $0x1BF5;
	[smem:$0x3FB7] =	sst s0  }
0x18: {  	s0 =	sld [smem:$0x3F9A];
	_ =	swait.ge [sflag:s4], $0x0  }
0x19: {  	s7 =	sld [smem:$0x3F9B]  }
0x1a: {  	s8 =	sadd.s32 $0xFFFFE003, lr  }
0x1b: {  	s9 =	sadd.s32 $0xFFFFFEF7, lr;
	s5 =	simm.s32 $0xFFFFFFFF;
	p2 =	slt.u32 s8, $0xFFFFF086  }
0x1c: {  	p1 =	slt.u32 s9, $0xF7A;
	s5 =	simm.s32 @!p2 $0x0  }
0x1d: {  	s5 =	simm.s32 @p1 $0x1;
	p0 =	seq.s32 s7, s2  }
0x1e: {  	s7 =	smul.u32 @!p0 $0xF7A, s2;
	p2 =	seq.s32 @!p0 s5, $0x0  }
0x1f: {  	s9 =	smul.u32 $0xF7A, s1;
	s8 =	simm.s32 @!p0 $0x1BF5;
	p2 =	por !p2, p0  }
0x20: {  	[sflag:s8] =	ssyncset.s32 @!p0 $0xFFFFF086;
	s6 =	sadd.s32 @!p0 s3, s7;
	s7 =	simm.s32 @!p0 $0x108  }
0x21: {  	s3 =	sadd.s32 s3, s9;
	s6 =	sadd.s32 @!p0 $0x88, s6;
	s7 =	simm.s32 @p2 $0x1082  }
0x22: {  	[simem:s7], [sflag:s8] =	dma.local @!p0 [hbm:s6], $0xF7A  }
0x23: {  	s9 =	sor.u32 $0xD0000000, s2;
	s6 =	simm.s32 $0x108;
	_ =	swait.ge @!p0 [sflag:s8], $0x0  }
0x24: {  	s3 =	sadd.s32 $0x88, s3;
	s6 =	simm.s32 @!p1 $0x1082;
	[sflag:s4] =	ssyncset.s32 $0xFFFFF086  }
0x25: {  	[simem:s6], [sflag:s4] =	dma.local [hbm:s3], $0xF7A  }
0x26: {  	[smem:$0x3F9B] =	sst s1;
	(tag) =	ssettag s2;
	_ =	strace s9  }
0x27: {  	s1 =	sld [smem:$0x3FAB]  }
0x28: {  	s2 =	sld [smem:$0x3FAC]  }
0x29: {  	s4 =	sld [smem:$0x3FAE]  }
0x2a: {  	p0 =	seq.s32 s5, $0x0;
	s5 =	sld [smem:$0x3FAF]  }
0x2b: {  	s6 =	sld [smem:$0x3FB0]  }
0x2c: {  	s7 =	sld [smem:$0x3FB1]  }
0x2d: {  	s3 =	simm.s32 $0x108;
	s8 =	sld [smem:$0x3FB2]  }
0x2e: {  	s3 =	simm.s32 @!p0 $0x1082;
	s9 =	sld [smem:$0x3FB3]  }
0x2f: {  	lr =	sadd.s32 s0, s3;
	s0 =	sld [smem:$0x3FAA]  }
0x30: {  	s3 =	sld [smem:$0x3FAD]  }
0x31: {  	[smem:$0x3FB6] =	sst s10  }
0x32: {  	s10 =	sld [smem:$0x3FB4];
	_ =	sdelay $0x3  }
0x33: {  	p0 =	seq.s32 s10, $0x1;
	s10 =	sld [smem:$0x3FB6];
	_ =	sdelay $0x3  }
0x34: {  	[smem:$0x3FB6] =	sst s10  }
0x35: {  	s10 =	sld [smem:$0x3FB5];
	_ =	sdelay $0x3  }
0x36: {  	p1 =	seq.s32 s10, $0x1;
	s10 =	sld [smem:$0x3FB6];
	_ =	sdelay $0x3  }
0x37: {  	[smem:$0x3FB6] =	sst s10  }
0x38: {  	s10 =	sld [smem:$0x3FB7]  }
0x39: {  	_ = 	snop;
	(pc) =	sbr.ind lr, $3  }
0x3a: {  	_ = 	snop  }
0x3b: {  	_ = 	snop  }
0x3c: {  	p2 =	seq.s32 s10, $0x1;
	s10 =	sld [smem:$0x3FB6]  }
0x3d: {  	_ =	shalt  }
0x3e: {  	_ =	shalt  }
0x3f: {  	_ =	shalt  }
0x40: {  	_ =	shalt  }
0x41: {  	_ =	shalt  }
0x42: {  	_ =	shalt  }
0x43: {  	_ =	shalt  }
0x44: {  	_ =	shalt  }
0x45: {  	_ =	shalt  }
0x46: {  	_ =	shalt  }
0x47: {  	_ =	shalt  }
0x48: {  	_ =	shalt  }
0x49: {  	_ =	shalt  }
0x4a: {  	_ =	shalt  }
0x4b: {  	_ =	shalt  }
0x4c: {  	_ =	shalt  }
0x4d: {  	_ =	shalt  }
0x4e: {  	_ =	shalt  }
0x4f: {  	_ =	shalt  }
0x50: {  	_ =	shalt  }
0x51: {  	_ =	shalt  }
0x52: {  	_ =	shalt  }
0x53: {  	_ =	shalt  }
0x54: {  	_ =	shalt  }
0x55: {  	_ =	shalt  }
0x56: {  	_ =	shalt  }
0x57: {  	_ =	shalt  }
0x58: {  	_ =	shalt  }
0x59: {  	_ =	shalt  }
0x5a: {  	_ =	shalt  }
0x5b: {  	_ =	shalt  }
0x5c: {  	_ =	shalt  }
0x5d: {  	_ =	shalt  }
0x5e: {  	_ =	shalt  }
0x5f: {  	_ =	shalt  }
0x60: {  	_ =	shalt  }
0x61: {  	_ =	shalt  }
0x62: {  	_ =	shalt  }
0x63: {  	_ =	shalt  }
0x64: {  	_ =	shalt  }
0x65: {  	_ =	shalt  }
0x66: {  	_ =	shalt  }
0x67: {  	_ =	shalt  }
0x68: {  	_ =	shalt  }
0x69: {  	_ =	shalt  }
0x6a: {  	_ =	shalt  }
0x6b: {  	_ =	shalt  }
0x6c: {  	_ =	shalt  }
0x6d: {  	_ =	shalt  }
0x6e: {  	_ =	shalt  }
0x6f: {  	_ =	shalt  }
0x70: {  	_ =	shalt  }
0x71: {  	_ =	shalt  }
0x72: {  	_ =	shalt  }
0x73: {  	_ =	shalt  }
0x74: {  	_ =	shalt  }
0x75: {  	_ =	shalt  }
0x76: {  	_ =	shalt  }
0x77: {  	_ =	shalt  }
0x78: {  	_ =	shalt  }
0x79: {  	_ =	shalt  }
0x7a: {  	_ =	shalt  }
0x7b: {  	_ =	shalt  }
0x7c: {  	_ =	shalt  }
0x7d: {  	_ =	shalt  }
0x7e: {  	_ =	shalt  }
0x7f: {  	_ =	shalt  }
0x80: {  	_ =	shalt  }
0x81: {  	_ =	shalt  }
0x82: {  	_ =	shalt  }
0x83: {  	_ =	shalt  }
0x84: {  	_ =	shalt  }
0x85: {  	_ =	shalt  }
0x86: {  	_ =	shalt  }
0x87: {  	_ =	shalt  }
.Lfunc_end0:
.L_simem_size_0:
called_computation_lowered:
.L_overlay_start_0:
0x88: {  	s2 =	sld [smem:$0x3FD9]  }
0x89: {  	s3 =	sld [smem:$0x3FFE];
	_ =	sdelay $0x1  }
0x8a: {  	s1 =	srdreg.scid  }
0x8b: {  	s0 =	sand.u32 $0x1, s1  }
0x8c: {  	s17 =	sshll.u32 s0, $0xA;
	s2 =	sadd.s32 s3, s2  }
0x8d: {  	s2 =	sadd.s32 s2, s17  }
0x8e: {  	[smem:$0x3FC2] =	sst s2  }
0x8f: {  	_ = 	snop  }
0x90: {  	s2 =	sld [smem:$0x3FD0];
	(tm) =	ssettm $0x1  }
0x91: {  	s18 =	sld [smem:$0x3FFB];
	_ =	sdelay $0x3  }
0x92: {  	_ =	strace s18  }
0x93: {  	s3 =	sld [smem:$0x3FFC];
	_ =	sdelay $0x3  }
0x94: {  	_ =	strace s3  }
0x95: {  	s3 =	sld [smem:$0x3FFD];
	_ =	sdelay $0x3  }
0x96: {  	_ =	strace s3  }
0x97: {  	_ =	strace $0x8FFFFFFF  }
0x98: {  	s19 =	sld [smem:$0x3FDB];
	_ =	sdelay $0x1  }
0x99: {  	s4 =	simm.s32 $_scs_section_size  }
0x9a: {  	s5 =	simm.s32 $_size__tile_overlayer_lowered;
	s6 =	simm.s32 $_tile_overlayer_lowered  }
0x9b: {  	s22 =	simm.s32 $0x1BFF;
	s21 =	sshll.u32 s6, $0x1;
	s3 =	sadd.s32 s4, s19  }
0x9c: {  	s7 =	simm.s32 $0x0;
	s20 =	sshll.u32 s5, $0x1;
	s5 =	sadd.s32 s21, s3  }
0x9d: {  	[timem:s7], [sflag:s22] =	dma.local [hbm:s5], s20  }
0x9e: {  	_ =	swait.ge [sflag:s22], s20  }
0x9f: {  	s4 =	ssub.s32 $0x0, s20;
	[sflag:s22] =	ssyncset.done $0x0  }
0xa0: {  	[sflag:s22] =	ssyncadd.s32 s4;
	_ =	sdelay $0x1  }
0xa1: {  	s23 =	simm.s32 $0x1B8B  }
0xa2: {  	_ =	swait.ge [sflag:s23], $0x1  }
0xa3: {  	[sflag:s23] =	ssyncset.done $0x0  }
0xa4: {  	s25 =	simm.s32 $0x1B8E;
	s24 =	sld [smem:$0x3FFE];
	[sflag:s23] =	ssyncadd.s32 $0xFFFFFFFF  }
0xa5: {  	s26 =	simm.s32 $execute0_lowered;
	[smem:$0x3FD2] =	sst s25  }
0xa6: {  	s5 =	sshll.u32 s26, $0x1;
	_ =	strace $0x80000046;
	[dreg:$0x1] =	wrdreg $0xFFFFFFFF  }
0xa7: {  	s28 =	simm.s32 $_size_execute0_lowered;
	s3 =	sadd.s32 s3, s5;
	[dreg:$0x0] =	wrdreg $0x0  }
0xa8: {  	s5 =	sshll.u32 s28, $0x1;
	[dreg:$0x2] =	wrdreg s3  }
0xa9: {  	[dreg:$0x3] =	wrdreg s5  }
0xaa: {  	[dreg:$0x4] =	wrdreg $0xC0  }
0xab: {  	_ =	task [dreg:s7], $0x5FFFF  }
0xac: {  	[dreg:$0x1] =	wrdreg $0xFFFFFFFF  }
0xad: {  	[dreg:$0x0] =	wrdreg $0x60  }
0xae: {  	[dreg:$0x2] =	wrdreg s24  }
0xaf: {  	[dreg:$0x3] =	wrdreg s2  }
0xb0: {  	[dreg:$0x4] =	wrdreg $0x9  }
0xb1: {  	_ =	task.clear_ibuf [dreg:s7], $0x5FFFF;
	_ =	strace $0x90000046  }
0xb2: {  	s29 =	simm.s32 $0x9;
	_ =	strace $0x80000048  }
0xb3: {  	_ =	swait.ge [sflag:s29], $0x1  }
0xb4: {  	[sflag:s29] =	ssyncadd.s32 $0xFFFFFFFF  }
0xb5: {  	_ =	strace $0x90000048  }
0xb6: {  	_ =	sfence  }
0xb7: {  	s30 =	sld [smem:$0x0];
	_ =	sdelay $0x2  }
0xb8: {  	s31 =	sshll.u32 s1, $0xD;
	s1 =	sshrl.u32 s1, $0x2  }
0xb9: {  	s3 =	sand.u32 $0x4000, s31;
	s1 =	sadd.s32 s1, s30  }
0xba: {  	s0 =	sor.u32 s3, s0;
	s1 =	sshll.u32 s1, $0x11  }
0xbb: {  	s0 =	sor.u32 s1, s0  }
0xbc: {  	s0 =	sadd.s32 $0x8F2B, s0  }
0xbd: {  	[sflag:s0] =	ssyncadd.remote.s32 $0x1  }
0xbe: {  	_ =	sfence.sel $0xFFFF  }
0xbf: {  	[dreg:$0x0] =	wrdreg $0xFFFFFFFF;
	(pc) =	sbr.abs _section_cstart, $3  }
0xc0: {  	[dreg:$0x1] =	wrdreg $0xFFFFFFFF  }
0xc1: {  	_ =	task.clear_ibuf [dreg:s7], $0x2FFFF;
	_ =	strace $0x9FFFFFFF  }
0xc2: {  	(tm) =	ssettm $0x7FFFFFFF  }
0xc3: {  	_ =	shalt  }
tec
execute0_lowered:
.L_overlay_start_1:
0x0: {  	(tag) =	ssettag $0x1  }
0x1: {  	s2 =	rddreg [dreg:$0x0]  }
0x2: {  	s1 =	srdreg.scid;
	s0 =	stileid.u32  }
0x3: {  	s4 =	rddreg [dreg:$0x1];
	s29 =	sand.u32 $0x1, s1;
	s5 =	sshll.u32 s0, $0x1  }
0x4: {  	s3 =	simm.s32 $0x0;
	s1 =	rddreg [dreg:$0x2];
	s14 =	sor.u32 s29, s5  }
0x5: {  	[smem:$0x7FF] =	sst s3;
	s5 =	sshll.u32 s14, $0x8  }
0x6: {  	_ =	strace $0x80000047;
	s5 =	sadd.s32 s4, s5;
	s4 =	simm.s32 $0x3  }
0x7: {  	[tilespmem:s3], [sflag:$0x3] =	stream.linear.gather [hbm4b:s5+s3], $0x500, $0x38;
	[tilespmem:$0x8800] =	vst v63  }
0x8: {  	_ =	swait.ge [sflag:s4], $0x500  }
0x9: {  	[sflag:s4] =	ssyncset.done $0x0  }
0xa: {  	s6 =	simm.s32 $0x80;
	s7 =	simm.s32 $0x800;
	[sflag:s4] =	ssyncadd.s32 $0xFFFFFB00  }
0xb: {  	[tilespmem:s7], [sflag:$0x1] =	stream.indirect.gather [hbm4b:s2+s6], $0x80, s3, s6, $0xb8;
	[tilespmem:$0x8800] =	vst v63  }
0xc: {  	s8 =	simm.s32 $0x4800;
	s9 =	simm.s32 $0x1  }
0xd: {  	[tilespmem:s8], [sflag:$0x2] =	stream.indirect.gather [hbm4b:s2+s6], $0x80, s6, s6, $0xb8;
	[tilespmem:$0x8800] =	vst v63  }
0xe: {  	s10 =	smul.u32 $0x5000, s14;
	_ =	swait.ge [sflag:s9], $0x4000  }
0xf: {  	s15 =	sadd.s32 $0x4E200, s2;
	[sflag:s9] =	ssyncset.done $0x0  }
0x10: {  	s10 =	sadd.s32 s15, s10;
	[sflag:s9] =	ssyncadd.s32 $0xFFFFC000  }
0x11: {  	[hbm4b:s10+s3] =	stream.linear.scatter [tilespmem:s7], [sflag:$0x3], $0x4000, $0x38;
	[tilespmem:$0x8800] =	vst v63  }
0x12: {  	_ =	swait.ge [sflag:s4], $0x4000  }
0x13: {  	[sflag:s4] =	ssyncset.done $0x0  }
0x14: {  	s11 =	simm.s32 $0x100;
	s12 =	simm.s32 $0x2;
	[sflag:s4] =	ssyncadd.s32 $0xFFFFC000  }
0x15: {  	[tilespmem:s7], [sflag:$0x1] =	stream.indirect.gather [hbm4b:s2+s6], $0x80, s11, s6, $0xb8;
	[tilespmem:$0x8800] =	vst v63  }
0x16: {  	_ =	swait.ge [sflag:s12], $0x4000  }
0x17: {  	[sflag:s12] =	ssyncset.done $0x0  }
0x18: {  	s13 =	sadd.s32 $0x800, s10;
	[sflag:s12] =	ssyncadd.s32 $0xFFFFC000  }
0x19: {  	[hbm4b:s13+s3] =	stream.linear.scatter [tilespmem:s8], [sflag:$0x3], $0x4000, $0x38;
	[tilespmem:$0x8800] =	vst v63  }
0x1a: {  	_ =	swait.ge [sflag:s4], $0x4000  }
0x1b: {  	[sflag:s4] =	ssyncset.done $0x0  }
0x1c: {  	s16 =	smul.u32 $0x28000, s14;
	s14 =	simm.s32 $0x180;
	[sflag:s4] =	ssyncadd.s32 $0xFFFFC000  }
0x1d: {  	[tilespmem:s8], [sflag:$0x2] =	stream.indirect.gather [hbm4b:s2+s6], $0x80, s14, s6, $0xb8;
	[tilespmem:$0x8800] =	vst v63  }
0x1e: {  	s16 =	sshrl.u32 s16, $0x3;
	_ =	swait.ge [sflag:s9], $0x4000  }
0x1f: {  	s30 =	sadd.s32 s15, s16;
	[sflag:s9] =	ssyncset.done $0x0  }
0x20: {  	s15 =	sadd.s32 $0x1000, s30;
	[sflag:s9] =	ssyncadd.s32 $0xFFFFC000  }
0x21: {  	[hbm4b:s15+s3] =	stream.linear.scatter [tilespmem:s7], [sflag:$0x3], $0x4000, $0x38;
	[tilespmem:$0x8800] =	vst v63  }
0x22: {  	_ =	swait.ge [sflag:s4], $0x4000  }
0x23: {  	[sflag:s4] =	ssyncset.done $0x0  }
0x24: {  	s16 =	simm.s32 $0x200;
	[sflag:s4] =	ssyncadd.s32 $0xFFFFC000  }
0x25: {  	[tilespmem:s7], [sflag:$0x1] =	stream.indirect.gather [hbm4b:s2+s6], $0x80, s16, s6, $0xb8;
	[tilespmem:$0x8800] =	vst v63  }
0x26: {  	_ =	swait.ge [sflag:s12], $0x4000  }
0x27: {  	[sflag:s12] =	ssyncset.done $0x0  }
0x28: {  	s17 =	sadd.s32 $0x1800, s30;
	[sflag:s12] =	ssyncadd.s32 $0xFFFFC000  }
0x29: {  	[hbm4b:s17+s3] =	stream.linear.scatter [tilespmem:s8], [sflag:$0x3], $0x4000, $0x38;
	[tilespmem:$0x8800] =	vst v63  }
0x2a: {  	_ =	swait.ge [sflag:s4], $0x4000  }
0x2b: {  	[sflag:s4] =	ssyncset.done $0x0  }
0x2c: {  	s18 =	simm.s32 $0x280;
	[sflag:s4] =	ssyncadd.s32 $0xFFFFC000  }
0x2d: {  	[tilespmem:s8], [sflag:$0x2] =	stream.indirect.gather [hbm4b:s2+s6], $0x80, s18, s6, $0xb8;
	[tilespmem:$0x8800] =	vst v63  }
0x2e: {  	_ =	swait.ge [sflag:s9], $0x4000  }
0x2f: {  	[sflag:s9] =	ssyncset.done $0x0  }
0x30: {  	s19 =	sadd.s32 $0x2000, s30;
	[sflag:s9] =	ssyncadd.s32 $0xFFFFC000  }
0x31: {  	[hbm4b:s19+s3] =	stream.linear.scatter [tilespmem:s7], [sflag:$0x3], $0x4000, $0x38;
	[tilespmem:$0x8800] =	vst v63  }
0x32: {  	_ =	swait.ge [sflag:s4], $0x4000  }
0x33: {  	[sflag:s4] =	ssyncset.done $0x0  }
0x34: {  	s20 =	simm.s32 $0x300;
	[sflag:s4] =	ssyncadd.s32 $0xFFFFC000  }
0x35: {  	[tilespmem:s7], [sflag:$0x1] =	stream.indirect.gather [hbm4b:s2+s6], $0x80, s20, s6, $0xb8;
	[tilespmem:$0x8800] =	vst v63  }
0x36: {  	_ =	swait.ge [sflag:s12], $0x4000  }
0x37: {  	[sflag:s12] =	ssyncset.done $0x0  }
0x38: {  	s21 =	sadd.s32 $0x2800, s30;
	[sflag:s12] =	ssyncadd.s32 $0xFFFFC000  }
0x39: {  	[hbm4b:s21+s3] =	stream.linear.scatter [tilespmem:s8], [sflag:$0x3], $0x4000, $0x38;
	[tilespmem:$0x8800] =	vst v63  }
0x3a: {  	_ =	swait.ge [sflag:s4], $0x4000  }
0x3b: {  	[sflag:s4] =	ssyncset.done $0x0  }
0x3c: {  	s22 =	simm.s32 $0x380;
	[sflag:s4] =	ssyncadd.s32 $0xFFFFC000  }
0x3d: {  	[tilespmem:s8], [sflag:$0x2] =	stream.indirect.gather [hbm4b:s2+s6], $0x80, s22, s6, $0xb8;
	[tilespmem:$0x8800] =	vst v63  }
0x3e: {  	_ =	swait.ge [sflag:s9], $0x4000  }
0x3f: {  	[sflag:s9] =	ssyncset.done $0x0  }
0x40: {  	s23 =	sadd.s32 $0x3000, s30;
	[sflag:s9] =	ssyncadd.s32 $0xFFFFC000  }
0x41: {  	[hbm4b:s23+s3] =	stream.linear.scatter [tilespmem:s7], [sflag:$0x3], $0x4000, $0x38;
	[tilespmem:$0x8800] =	vst v63  }
0x42: {  	_ =	swait.ge [sflag:s4], $0x4000  }
0x43: {  	[sflag:s4] =	ssyncset.done $0x0  }
0x44: {  	s24 =	simm.s32 $0x400;
	[sflag:s4] =	ssyncadd.s32 $0xFFFFC000  }
0x45: {  	[tilespmem:s7], [sflag:$0x1] =	stream.indirect.gather [hbm4b:s2+s6], $0x80, s24, s6, $0xb8;
	[tilespmem:$0x8800] =	vst v63  }
0x46: {  	_ =	swait.ge [sflag:s12], $0x4000  }
0x47: {  	[sflag:s12] =	ssyncset.done $0x0  }
0x48: {  	s25 =	sadd.s32 $0x3800, s30;
	[sflag:s12] =	ssyncadd.s32 $0xFFFFC000  }
0x49: {  	[hbm4b:s25+s3] =	stream.linear.scatter [tilespmem:s8], [sflag:$0x3], $0x4000, $0x38;
	[tilespmem:$0x8800] =	vst v63  }
0x4a: {  	_ =	swait.ge [sflag:s4], $0x4000  }
0x4b: {  	[sflag:s4] =	ssyncset.done $0x0  }
0x4c: {  	s26 =	simm.s32 $0x480;
	[sflag:s4] =	ssyncadd.s32 $0xFFFFC000  }
0x4d: {  	[tilespmem:s8], [sflag:$0x2] =	stream.indirect.gather [hbm4b:s2+s6], $0x80, s26, s6, $0xb8;
	[tilespmem:$0x8800] =	vst v63  }
0x4e: {  	_ =	swait.ge [sflag:s9], $0x4000  }
0x4f: {  	[sflag:s9] =	ssyncset.done $0x0  }
0x50: {  	s29 =	ssub.s32 $0x2, s29;
	s28 =	sadd.s32 $0x4000, s30;
	[sflag:s9] =	ssyncadd.s32 $0xFFFFC000  }
0x51: {  	[hbm4b:s28+s3] =	stream.linear.scatter [tilespmem:s7], [sflag:$0x3], $0x4000, $0x38;
	[tilespmem:$0x8800] =	vst v63  }
0x52: {  	s31 =	sshrl.u32 s29, $0x1;
	_ =	swait.ge [sflag:s4], $0x4000  }
0x53: {  	s31 =	ssub.s32 s29, s31;
	[sflag:s4] =	ssyncset.done $0x0  }
0x54: {  	s29 =	sadd.s32 $0x4800, s30;
	s30 =	smax.u32 s31, $0x1;
	[sflag:s4] =	ssyncadd.s32 $0xFFFFC000  }
0x55: {  	p0 =	sne.s32 s30, $0x1;
	_ =	swait.ge [sflag:s12], $0x4000  }
.Ltmp0:
0x56: {  	[sflag:s12] =	ssyncset.done $0x0;
	(pc) =	sbr.rel @!p0 .LBB2_2-.Ltmp0, $4  }
0x57: {  	[sflag:s12] =	ssyncadd.s32 $0xFFFFC000  }
0x58: {  	[hbm4b:s29+s3] =	stream.linear.scatter [tilespmem:s8], [sflag:$0x3], $0x4000, $0x38;
	[tilespmem:$0x8800] =	vst v63  }
0x59: {  	_ =	swait.ge [sflag:s4], $0x4000  }
0x5a: {  	s30 =	sadd.s32 $0xFFFFFFFF, s30;
	[sflag:s4] =	ssyncset.done $0x0  }
.LBB2_1:
0x5b: {  	p0 =	sne.s32 s30, $0x1;
	s30 =	sadd.s32 $0xFFFFFFFF, s30;
	[sflag:s4] =	ssyncadd.s32 $0xFFFFC000  }
0x5c: {  	[tilespmem:s3], [sflag:$0x3] =	stream.linear.gather [hbm4b:s5+s3], $0x500, $0x38;
	[tilespmem:$0x8800] =	vst v63  }
0x5d: {  	_ =	swait.ge [sflag:s4], $0x500  }
0x5e: {  	[sflag:s4] =	ssyncset.done $0x0  }
0x5f: {  	[sflag:s4] =	ssyncadd.s32 $0xFFFFFB00  }
0x60: {  	[tilespmem:s7], [sflag:$0x1] =	stream.indirect.gather [hbm4b:s2+s6], $0x80, s3, s6, $0xb8;
	[tilespmem:$0x8800] =	vst v63  }
0x61: {  	_ = 	snop  }
0x62: {  	[tilespmem:s8], [sflag:$0x2] =	stream.indirect.gather [hbm4b:s2+s6], $0x80, s6, s6, $0xb8;
	[tilespmem:$0x8800] =	vst v63  }
0x63: {  	_ =	swait.ge [sflag:s9], $0x4000  }
0x64: {  	[sflag:s9] =	ssyncset.done $0x0  }
0x65: {  	[sflag:s9] =	ssyncadd.s32 $0xFFFFC000  }
0x66: {  	[hbm4b:s10+s3] =	stream.linear.scatter [tilespmem:s7], [sflag:$0x3], $0x4000, $0x38;
	[tilespmem:$0x8800] =	vst v63  }
0x67: {  	_ =	swait.ge [sflag:s4], $0x4000  }
0x68: {  	[sflag:s4] =	ssyncset.done $0x0  }
0x69: {  	[sflag:s4] =	ssyncadd.s32 $0xFFFFC000  }
0x6a: {  	[tilespmem:s7], [sflag:$0x1] =	stream.indirect.gather [hbm4b:s2+s6], $0x80, s11, s6, $0xb8;
	[tilespmem:$0x8800] =	vst v63  }
0x6b: {  	_ =	swait.ge [sflag:s12], $0x4000  }
0x6c: {  	[sflag:s12] =	ssyncset.done $0x0  }
0x6d: {  	[sflag:s12] =	ssyncadd.s32 $0xFFFFC000  }
0x6e: {  	[hbm4b:s13+s3] =	stream.linear.scatter [tilespmem:s8], [sflag:$0x3], $0x4000, $0x38;
	[tilespmem:$0x8800] =	vst v63  }
0x6f: {  	_ =	swait.ge [sflag:s4], $0x4000  }
0x70: {  	[sflag:s4] =	ssyncset.done $0x0  }
0x71: {  	[sflag:s4] =	ssyncadd.s32 $0xFFFFC000  }
0x72: {  	[tilespmem:s8], [sflag:$0x2] =	stream.indirect.gather [hbm4b:s2+s6], $0x80, s14, s6, $0xb8;
	[tilespmem:$0x8800] =	vst v63  }
0x73: {  	_ =	swait.ge [sflag:s9], $0x4000  }
0x74: {  	[sflag:s9] =	ssyncset.done $0x0  }
0x75: {  	[sflag:s9] =	ssyncadd.s32 $0xFFFFC000  }
0x76: {  	[hbm4b:s15+s3] =	stream.linear.scatter [tilespmem:s7], [sflag:$0x3], $0x4000, $0x38;
	[tilespmem:$0x8800] =	vst v63  }
0x77: {  	_ =	swait.ge [sflag:s4], $0x4000  }
0x78: {  	[sflag:s4] =	ssyncset.done $0x0  }
0x79: {  	[sflag:s4] =	ssyncadd.s32 $0xFFFFC000  }
0x7a: {  	[tilespmem:s7], [sflag:$0x1] =	stream.indirect.gather [hbm4b:s2+s6], $0x80, s16, s6, $0xb8;
	[tilespmem:$0x8800] =	vst v63  }
0x7b: {  	_ =	swait.ge [sflag:s12], $0x4000  }
0x7c: {  	[sflag:s12] =	ssyncset.done $0x0  }
0x7d: {  	[sflag:s12] =	ssyncadd.s32 $0xFFFFC000  }
0x7e: {  	[hbm4b:s17+s3] =	stream.linear.scatter [tilespmem:s8], [sflag:$0x3], $0x4000, $0x38;
	[tilespmem:$0x8800] =	vst v63  }
0x7f: {  	_ =	swait.ge [sflag:s4], $0x4000  }
0x80: {  	[sflag:s4] =	ssyncset.done $0x0  }
0x81: {  	[sflag:s4] =	ssyncadd.s32 $0xFFFFC000  }
0x82: {  	[tilespmem:s8], [sflag:$0x2] =	stream.indirect.gather [hbm4b:s2+s6], $0x80, s18, s6, $0xb8;
	[tilespmem:$0x8800] =	vst v63  }
0x83: {  	_ =	swait.ge [sflag:s9], $0x4000  }
0x84: {  	[sflag:s9] =	ssyncset.done $0x0  }
0x85: {  	[sflag:s9] =	ssyncadd.s32 $0xFFFFC000  }
0x86: {  	[hbm4b:s19+s3] =	stream.linear.scatter [tilespmem:s7], [sflag:$0x3], $0x4000, $0x38;
	[tilespmem:$0x8800] =	vst v63  }
0x87: {  	_ =	swait.ge [sflag:s4], $0x4000  }
0x88: {  	[sflag:s4] =	ssyncset.done $0x0  }
0x89: {  	[sflag:s4] =	ssyncadd.s32 $0xFFFFC000  }
0x8a: {  	[tilespmem:s7], [sflag:$0x1] =	stream.indirect.gather [hbm4b:s2+s6], $0x80, s20, s6, $0xb8;
	[tilespmem:$0x8800] =	vst v63  }
0x8b: {  	_ =	swait.ge [sflag:s12], $0x4000  }
0x8c: {  	[sflag:s12] =	ssyncset.done $0x0  }
0x8d: {  	[sflag:s12] =	ssyncadd.s32 $0xFFFFC000  }
0x8e: {  	[hbm4b:s21+s3] =	stream.linear.scatter [tilespmem:s8], [sflag:$0x3], $0x4000, $0x38;
	[tilespmem:$0x8800] =	vst v63  }
0x8f: {  	_ =	swait.ge [sflag:s4], $0x4000  }
0x90: {  	[sflag:s4] =	ssyncset.done $0x0  }
0x91: {  	[sflag:s4] =	ssyncadd.s32 $0xFFFFC000  }
0x92: {  	[tilespmem:s8], [sflag:$0x2] =	stream.indirect.gather [hbm4b:s2+s6], $0x80, s22, s6, $0xb8;
	[tilespmem:$0x8800] =	vst v63  }
0x93: {  	_ =	swait.ge [sflag:s9], $0x4000  }
0x94: {  	[sflag:s9] =	ssyncset.done $0x0  }
0x95: {  	[sflag:s9] =	ssyncadd.s32 $0xFFFFC000  }
0x96: {  	[hbm4b:s23+s3] =	stream.linear.scatter [tilespmem:s7], [sflag:$0x3], $0x4000, $0x38;
	[tilespmem:$0x8800] =	vst v63  }
0x97: {  	_ =	swait.ge [sflag:s4], $0x4000  }
0x98: {  	[sflag:s4] =	ssyncset.done $0x0  }
0x99: {  	[sflag:s4] =	ssyncadd.s32 $0xFFFFC000  }
0x9a: {  	[tilespmem:s7], [sflag:$0x1] =	stream.indirect.gather [hbm4b:s2+s6], $0x80, s24, s6, $0xb8;
	[tilespmem:$0x8800] =	vst v63  }
0x9b: {  	_ =	swait.ge [sflag:s12], $0x4000  }
0x9c: {  	[sflag:s12] =	ssyncset.done $0x0  }
0x9d: {  	[sflag:s12] =	ssyncadd.s32 $0xFFFFC000  }
0x9e: {  	[hbm4b:s25+s3] =	stream.linear.scatter [tilespmem:s8], [sflag:$0x3], $0x4000, $0x38;
	[tilespmem:$0x8800] =	vst v63  }
0x9f: {  	_ =	swait.ge [sflag:s4], $0x4000  }
0xa0: {  	[sflag:s4] =	ssyncset.done $0x0  }
0xa1: {  	[sflag:s4] =	ssyncadd.s32 $0xFFFFC000  }
0xa2: {  	[tilespmem:s8], [sflag:$0x2] =	stream.indirect.gather [hbm4b:s2+s6], $0x80, s26, s6, $0xb8;
	[tilespmem:$0x8800] =	vst v63  }
0xa3: {  	_ =	swait.ge [sflag:s9], $0x4000  }
0xa4: {  	[sflag:s9] =	ssyncset.done $0x0  }
0xa5: {  	[sflag:s9] =	ssyncadd.s32 $0xFFFFC000  }
0xa6: {  	[hbm4b:s28+s3] =	stream.linear.scatter [tilespmem:s7], [sflag:$0x3], $0x4000, $0x38;
	[tilespmem:$0x8800] =	vst v63  }
0xa7: {  	_ =	swait.ge [sflag:s4], $0x4000  }
0xa8: {  	[sflag:s4] =	ssyncset.done $0x0  }
0xa9: {  	[sflag:s4] =	ssyncadd.s32 $0xFFFFC000  }
0xaa: {  	_ =	swait.ge [sflag:s12], $0x4000  }
.Ltmp1:
0xab: {  	[sflag:s12] =	ssyncset.done $0x0;
	(pc) =	sbr.rel @p0 .LBB2_1-.Ltmp1, $4  }
0xac: {  	[sflag:s12] =	ssyncadd.s32 $0xFFFFC000  }
0xad: {  	[hbm4b:s29+s3] =	stream.linear.scatter [tilespmem:s8], [sflag:$0x3], $0x4000, $0x38;
	[tilespmem:$0x8800] =	vst v63  }
0xae: {  	_ =	swait.ge [sflag:s4], $0x4000  }
0xaf: {  	[sflag:s4] =	ssyncset.done $0x0  }
.LBB2_2:
0xb0: {  	[sflag:s4] =	ssyncadd.s32 $0xFFFFC000  }
0xb1: {  	_ =	sfence.sel $0x180000  }
0xb2: {  	[bflag:$0x0] =	sbarrier.arrive $0xFFFF  }
0xb3: {  	p0 =	sne.s32 s0, $0x0;
	_ =	strace $0x90000047  }
0xb4: {  	s0 =	sadd.s32 @!p0 $0x100000, s1;
	[bflag:$0x2] =	sbarrier.arrive $0xFFFF  }
0xb5: {  	[sflag:s0] =	ssyncadd.tile.s32 @!p0 $0x1;
	_ =	shalt  }
.Lfunc_end2:
_tile_overlayer_lowered:
.L_overlay_start_2:
0xb6: {  	(tag) =	ssettag $0x2  }
0xb7: {  	s0 =	rddreg [dreg:$0x0];
	s2 =	stileid.u32  }
0xb8: {  	s1 =	rddreg [dreg:$0x1];
	p0 =	sne.s32 s2, $0x0  }
0xb9: {  	s3 =	rddreg [dreg:$0x2];
	[bflag:$0x3] =	sbarrier.arrive $0xFFFF;
	s2 =	simm.s32 @!p0 $0x1C03  }
0xba: {  	[timem:s3], [sflag:s2] =	dma.local @!p0 [hbm:s0], s1  }
0xbb: {  	s0 =	simm.s32 @!p0 $0x3  }
0xbc: {  	_ =	swait.ge @!p0 [sflag:s0], s1  }
0xbd: {  	s1 =	ssub.s32 @!p0 $0x0, s1;
	[sflag:s0] =	ssyncset.done @!p0 $0x0  }
0xbe: {  	[sflag:s0] =	ssyncadd.s32 @!p0 s1  }
0xbf: {  	[bflag:$0x3] =	sbarrier.arrive $0xFFFF  }
0xc0: {  	_ =	shalt  }

</sc_bundles>
